<compile_context>
chip_gen: v7x
topology: tpu7x:2x2x1
jax: 0.10.2.dev20260603
libtpu: 0.0.44.dev20260713+nightly
codegen_flags: <defaults>
</compile_context>

<pallas_src>
import jax
import jax.numpy as jnp
from jax import lax
from jax.experimental import pallas as pl
from jax.experimental.pallas import tpu as pltpu
from jax.experimental.pallas import tpu_sc as plsc

SEQ = 4096
D = 128
ENT_D = 64
VOCAB = 256
EEG_T = 512
THRESH = 0.5

N_CORES = 2
N_SUB = 16
N_W = N_CORES * N_SUB
PPT = SEQ // N_W
RPT = SEQ // N_SUB


def _prep_body(tb_ref, byte_emb_ref, byte_W_ref, byte_b_ref, ent_emb_ref,
               ent_W_ref, ent_b_ref, eeg_ref, eeg_W_ref, eeg_b_ref,
               fus_eeg_W_ref, fus_eeg_b_ref, out_W_ref, out_b_ref,
               seg_ref, ftab_ref, eegf_ref, eegp_ref, const_ref):
    h_tab = jnp.dot(byte_emb_ref[...], byte_W_ref[...],
                    preferred_element_type=jnp.float32) + byte_b_ref[...]
    ftab_ref[...] = jax.nn.gelu(h_tab)

    z = jnp.dot(ent_emb_ref[...], ent_W_ref[...],
                preferred_element_type=jnp.float32) + ent_b_ref[...]
    m = jnp.max(z, axis=1, keepdims=True)
    shifted = z - m
    ls = jnp.log(jnp.sum(jnp.exp(shifted), axis=1, keepdims=True))
    logp = shifted - ls
    p = jnp.exp(logp)
    ent_tab = -jnp.sum(p * logp, axis=1, keepdims=True)

    b_row = tb_ref[...]
    vv = lax.broadcasted_iota(jnp.int32, (VOCAB, SEQ), 0)
    oh = vv == b_row
    ent_pos = jnp.sum(jnp.where(oh, ent_tab, 0.0), axis=0, keepdims=True)

    pos = lax.broadcasted_iota(jnp.int32, (1, SEQ), 1)
    bnd = ((ent_pos > THRESH) & (pos > 0)).astype(jnp.int32)
    x = bnd
    k = 1
    while k < SEQ:
        shifted_x = jnp.concatenate(
            [jnp.zeros((1, k), jnp.int32), x[:, :SEQ - k]], axis=1)
        x = x + shifted_x
        k *= 2
    seg_ref[...] = x

    ef = jax.nn.gelu(jnp.dot(eeg_ref[...], eeg_W_ref[...],
                             preferred_element_type=jnp.float32)
                     + eeg_b_ref[...])
    eegf_ref[...] = ef
    ep_pre = jnp.dot(ef, fus_eeg_W_ref[...],
                     preferred_element_type=jnp.float32) + fus_eeg_b_ref[...]
    eeg_p = jnp.sum(ep_pre, axis=0, keepdims=True) / float(EEG_T)
    eegp_ref[...] = eeg_p
    const_ref[...] = jnp.dot(eeg_p, out_W_ref[D:, :],
                             preferred_element_type=jnp.float32) + out_b_ref[...]


def _prep_call(tb, byte_emb, byte_W, byte_b, ent_emb, ent_W, ent_b,
               eeg, eeg_W, eeg_b, fus_eeg_W, fus_eeg_b, out_W, out_b):
    return pl.pallas_call(
        _prep_body,
        out_shape=[
            jax.ShapeDtypeStruct((1, SEQ), jnp.int32),
            jax.ShapeDtypeStruct((VOCAB, D), jnp.float32),
            jax.ShapeDtypeStruct((EEG_T, D), jnp.float32),
            jax.ShapeDtypeStruct((1, D), jnp.float32),
            jax.ShapeDtypeStruct((1, 2 * D), jnp.float32),
        ],
    )(tb, byte_emb, byte_W, byte_b, ent_emb, ent_W, ent_b,
      eeg, eeg_W, eeg_b, fus_eeg_W, fus_eeg_b, out_W, out_b)


def _sc_body(bytes_hbm, seg_hbm, ftab_hbm, zeros_hbm, ones_hbm,
             sums_hbm, cnt_hbm,
             byt_a, byt_b, seg_a, seg_b, rows_v, ones_v, z_v, cnt_v,
             sh_acc, sem):
    cid = lax.axis_index("c")
    sid = lax.axis_index("s")
    base = sid * RPT

    l1 = pltpu.async_copy(bytes_hbm.at[pl.ds(base, PPT)], byt_a, sem)
    l2 = pltpu.async_copy(bytes_hbm.at[pl.ds(base + PPT, PPT)], byt_b, sem)
    l3 = pltpu.async_copy(seg_hbm.at[0, pl.ds(base, PPT)], seg_a, sem)
    l4 = pltpu.async_copy(seg_hbm.at[0, pl.ds(base + PPT, PPT)], seg_b, sem)
    l5 = pltpu.async_copy(zeros_hbm, z_v, sem)
    l6 = pltpu.async_copy(ones_hbm, ones_v, sem)
    l1.wait()
    l2.wait()
    l3.wait()
    l4.wait()
    l5.wait()
    l6.wait()

    pltpu.sync_copy(z_v, sh_acc.at[pl.ds(base, PPT)])
    pltpu.sync_copy(z_v, sh_acc.at[pl.ds(base + PPT, PPT)])

    @pl.when(cid == 0)
    def _():
        pltpu.async_copy(ftab_hbm.at[byt_a], rows_v, sem).wait()

    plsc.subcore_barrier()

    @pl.when(cid == 0)
    def _():
        pltpu.sync_copy(rows_v, sh_acc.at[seg_a], add=True)
        pltpu.async_copy(ftab_hbm.at[byt_b], rows_v, sem).wait()
        pltpu.sync_copy(rows_v, sh_acc.at[seg_b], add=True)

    @pl.when(cid == 1)
    def _():
        pltpu.sync_copy(ones_v, sh_acc.at[seg_a], add=True)
        pltpu.sync_copy(ones_v, sh_acc.at[seg_b], add=True)

    plsc.subcore_barrier()

    @pl.when(cid == 0)
    def _():
        for h in range(RPT // PPT):
            pltpu.sync_copy(sh_acc.at[pl.ds(base + h * PPT, PPT)], rows_v)
            pltpu.sync_copy(rows_v, sums_hbm.at[pl.ds(base + h * PPT, PPT)])

    @pl.when(cid == 1)
    def _():
        for h in range(RPT // PPT):
            pltpu.sync_copy(sh_acc.at[pl.ds(base + h * PPT, PPT)], z_v)

            def _compress(r, _):
                cnt_v[h * PPT + r, pl.ds(0, 16)] = z_v[r, pl.ds(0, 16)]
                return 0

            lax.fori_loop(0, PPT, _compress, 0)
        pltpu.sync_copy(cnt_v, cnt_hbm.at[pl.ds(base, RPT)])


def _sc_call(text_bytes, seg_ids, ftab):
    mesh = plsc.VectorSubcoreMesh(
        core_axis_name="c", subcore_axis_name="s")
    f = pl.kernel(
        _sc_body,
        out_type=[
            jax.ShapeDtypeStruct((SEQ, D), jnp.float32),
            jax.ShapeDtypeStruct((SEQ, 16), jnp.float32),
        ],
        mesh=mesh,
        scratch_types=[
            pltpu.VMEM((PPT,), jnp.int32),
            pltpu.VMEM((PPT,), jnp.int32),
            pltpu.VMEM((PPT,), jnp.int32),
            pltpu.VMEM((PPT,), jnp.int32),
            pltpu.VMEM((PPT, D), jnp.float32),
            pltpu.VMEM((PPT, D), jnp.float32),
            pltpu.VMEM((PPT, D), jnp.float32),
            pltpu.VMEM((RPT, 16), jnp.float32),
            pltpu.VMEM_SHARED((SEQ, D), jnp.float32),
            pltpu.SemaphoreType.DMA,
        ],
    )
    zeros = jnp.zeros((PPT, D), jnp.float32)
    ones = jnp.ones((PPT, D), jnp.float32)
    return f(text_bytes, seg_ids, ftab, zeros, ones)


def _fuse_body(sums_ref, cnt_ref, fus_W_ref, fus_b_ref,
               outW_ref, const_ref, eegp_ref, logits_ref, tf_ref, joint_ref):
    pooled = sums_ref[...] / cnt_ref[:, 0:1]
    tf_ref[...] = pooled
    tp = jnp.dot(pooled, fus_W_ref[...],
                 preferred_element_type=jnp.float32) + fus_b_ref[...]
    joint_ref[...] = jnp.concatenate(
        [tp, jnp.broadcast_to(eegp_ref[...], tp.shape)], axis=1)
    logits_ref[...] = jnp.dot(tp, outW_ref[...],
                              preferred_element_type=jnp.float32) + const_ref[...]


def _fuse_call(sums, cnt, fus_W, fus_b, outW_top, const_row, eeg_p):
    nblk = 2
    blk = SEQ // nblk
    return pl.pallas_call(
        _fuse_body,
        grid=(nblk,),
        in_specs=[
            pl.BlockSpec((blk, D), lambda i: (i, 0)),
            pl.BlockSpec((blk, 16), lambda i: (i, 0)),
            pl.BlockSpec((D, D), lambda i: (0, 0)),
            pl.BlockSpec((1, D), lambda i: (0, 0)),
            pl.BlockSpec((D, 2 * D), lambda i: (0, 0)),
            pl.BlockSpec((1, 2 * D), lambda i: (0, 0)),
            pl.BlockSpec((1, D), lambda i: (0, 0)),
        ],
        out_specs=[
            pl.BlockSpec((blk, 2 * D), lambda i: (i, 0)),
            pl.BlockSpec((blk, D), lambda i: (i, 0)),
            pl.BlockSpec((blk, 2 * D), lambda i: (i, 0)),
        ],
        out_shape=[
            jax.ShapeDtypeStruct((SEQ, 2 * D), jnp.float32),
            jax.ShapeDtypeStruct((SEQ, D), jnp.float32),
            jax.ShapeDtypeStruct((SEQ, 2 * D), jnp.float32),
        ],
    )(sums, cnt, fus_W, fus_b, outW_top, const_row, eeg_p)


def kernel(text_bytes, eeg_data, byte_emb, byte_W, byte_b, ent_emb, ent_W,
           ent_b, eeg_W, eeg_b, fus_text_W, fus_text_b, fus_eeg_W, fus_eeg_b,
           out_W, out_b):
    tb = text_bytes.reshape(1, SEQ)
    seg2d, ftab, eegf, eeg_p, const_row = _prep_call(
        tb, byte_emb, byte_W, byte_b.reshape(1, D), ent_emb, ent_W,
        ent_b.reshape(1, VOCAB), eeg_data.reshape(EEG_T, ENT_D), eeg_W,
        eeg_b.reshape(1, D), fus_eeg_W, fus_eeg_b.reshape(1, D), out_W,
        out_b.reshape(1, 2 * D))

    sums, cnt = _sc_call(text_bytes, seg2d, ftab)

    logits, tf, joint = _fuse_call(
        sums, cnt, fus_text_W, fus_text_b.reshape(1, D), out_W,
        const_row, eeg_p)

    return (logits.reshape(1, SEQ, 2 * D), tf.reshape(1, SEQ, D),
            eegf.reshape(1, EEG_T, D), joint.reshape(1, SEQ, 2 * D))

# --- scband reference (transcript-rebuilt; emitter-appended) ---
"""Pipeline reference for scband-brain-aware-blt-7172595384963 (READ-ONLY COPY).

The authoritative reference and input builder live on the scoring server;
editing this copy changes nothing except your own understanding.
"""

import jax, jax.numpy as jnp
import numpy as np

VOCAB = 256
D = 128
ENT_D = 64
EEG_C = 64
SEQ = 4096
EEG_T = 512
THRESH = 0.5


def _make_params(key):
    ks = jax.random.split(key, 8)
    s = 0.02
    p = {}
    p['byte_emb'] = jax.random.normal(ks[0], (VOCAB, D), dtype=jnp.float32) * s
    p['byte_W'] = jax.random.normal(ks[1], (D, D), dtype=jnp.float32) * s
    p['byte_b'] = jnp.zeros((D,), dtype=jnp.float32)
    p['ent_emb'] = jax.random.normal(ks[2], (VOCAB, ENT_D), dtype=jnp.float32) * s
    p['ent_W'] = jax.random.normal(ks[3], (ENT_D, VOCAB), dtype=jnp.float32) * s
    p['ent_b'] = jnp.zeros((VOCAB,), dtype=jnp.float32)
    p['eeg_W'] = jax.random.normal(ks[4], (EEG_C, D), dtype=jnp.float32) * s
    p['eeg_b'] = jnp.zeros((D,), dtype=jnp.float32)
    p['fus_text_W'] = jax.random.normal(ks[5], (D, D), dtype=jnp.float32) * s
    p['fus_text_b'] = jnp.zeros((D,), dtype=jnp.float32)
    p['fus_eeg_W'] = jax.random.normal(ks[6], (D, D), dtype=jnp.float32) * s
    p['fus_eeg_b'] = jnp.zeros((D,), dtype=jnp.float32)
    p['out_W'] = jax.random.normal(ks[7], (2 * D, VOCAB), dtype=jnp.float32) * s
    p['out_b'] = jnp.zeros((VOCAB,), dtype=jnp.float32)
    return p


def _entropy(text_bytes, ent_emb, ent_W, ent_b):
    e = jnp.take(ent_emb, text_bytes, axis=0)
    logits = e @ ent_W + ent_b
    logp = jax.nn.log_softmax(logits, axis=-1)
    p = jnp.exp(logp)
    return -jnp.sum(p * logp, axis=-1)


def _patch_segments(entropy, S, threshold):
    # Mirrors the torch loop: boundaries at positions where entropy > threshold,
    # each patch mean-pooled. Produces a partition of [0, S).
    pos = jnp.arange(S, dtype=jnp.int32)
    boundary = (entropy > threshold) & (pos > 0)
    seg_ids = jnp.cumsum(boundary.astype(jnp.int32))
    counts = jax.ops.segment_sum(jnp.ones((S,), dtype=jnp.float32), seg_ids,
                                 num_segments=S)
    return seg_ids, counts, S


def setup_inputs(seed: int = 0):
    key = jax.random.key(seed)
    k1, k2, k3 = jax.random.split(key, 3)
    inp = {}
    inp['text_bytes'] = jax.random.randint(k1, (SEQ,), 0, VOCAB, dtype=jnp.int32)
    inp['eeg_data'] = jax.random.normal(k2, (1, EEG_T, EEG_C), dtype=jnp.float32)
    inp.update(_make_params(k3))
    return inp


def reference(text_bytes, eeg_data, byte_emb, byte_W, byte_b, ent_emb, ent_W, ent_b,
              eeg_W, eeg_b, fus_text_W, fus_text_b, fus_eeg_W, fus_eeg_b, out_W, out_b):
    S = text_bytes.shape[0]
    # ByteEncoder: embedding gather + MLP
    h = jnp.take(byte_emb, text_bytes, axis=0)
    feats = jax.nn.gelu(h @ byte_W + byte_b)  # [S, D]
    # EntropyModel (no-grad in torch): per-position next-byte entropy
    ent = jax.lax.stop_gradient(_entropy(text_bytes, ent_emb, ent_W, ent_b))
    seg_ids, counts, P = _patch_segments(ent, S, THRESH)
    # entropy patching: ragged mean-pool via segment_sum
    pooled = jax.ops.segment_sum(feats, seg_ids, num_segments=P) / counts[:, None]
    text_features = pooled[None]  # [1, P, D]
    # EEGEncoder
    eeg_features = jax.nn.gelu(eeg_data @ eeg_W + eeg_b)  # [1, T, D]
    # ModalityFusion: project both, broadcast pooled eeg, concat -> fusion_dim*2
    text_p = text_features @ fus_text_W + fus_text_b
    eeg_p = jnp.mean(eeg_features @ fus_eeg_W + fus_eeg_b, axis=1, keepdims=True)
    joint = jnp.concatenate([text_p, jnp.broadcast_to(eeg_p, text_p.shape)], axis=-1)
    logits = joint @ out_W + out_b  # [1, P, VOCAB]
    return logits, text_features, eeg_features, joint

if __name__ == "__main__":
    import jax
    _d = setup_inputs()
    print(jax.jit(kernel)(*tuple(_d.values())))

</pallas_src>

<mosaic_0001>
#map = affine_map<(d0, d1) -> (0)>
#map1 = affine_map<(d0, d1) -> (0, 0)>
module attributes {stable_mosaic.version = 14 : i64} {
  func.func @_sc_body(%arg0: i32, %arg1: i32, %arg2: memref<4096xi32, #tpu.memory_space<hbm>>, %arg3: memref<1x4096xi32, #tpu.memory_space<hbm>>, %arg4: memref<256x128xf32, #tpu.memory_space<hbm>>, %arg5: memref<128x128xf32, #tpu.memory_space<hbm>>, %arg6: memref<128x128xf32, #tpu.memory_space<hbm>>, %arg7: memref<4096x128xf32, #tpu.memory_space<hbm>>, %arg8: memref<4096x16xf32, #tpu.memory_space<hbm>>, %arg9: memref<128xi32, #tpu.memory_space<vmem>>, %arg10: memref<128xi32, #tpu.memory_space<vmem>>, %arg11: memref<128xi32, #tpu.memory_space<vmem>>, %arg12: memref<128xi32, #tpu.memory_space<vmem>>, %arg13: memref<128x128xf32, #tpu.memory_space<vmem>>, %arg14: memref<128x128xf32, #tpu.memory_space<vmem>>, %arg15: memref<128x128xf32, #tpu.memory_space<vmem>>, %arg16: memref<256x16xf32, #tpu.memory_space<vmem>>, %arg17: memref<4096x128xf32, #tpu.memory_space<vmem_shared>>, %arg18: memref<!tpu.dma_semaphore, #tpu.memory_space<semaphore_mem>>) attributes {dimension_semantics = [#tpu.dimension_semantics<core_parallel>, #tpu.dimension_semantics<subcore_parallel>], iteration_bounds = array<i64: 2, 16>, scalar_prefetch = 0 : i64, scratch_operands = 10 : i64, tpu.core_type = #tpu.core_type<sc_vector_subcore>, window_params = [{transform_indices = #map}, {transform_indices = #map1}, {transform_indices = #map1}, {transform_indices = #map1}, {transform_indices = #map1}, {transform_indices = #map1}, {transform_indices = #map1}]} {
    %mul3A = arith.constant 256 : i32
    %mul3A_0 = arith.muli %arg1, %mul3A : i32
    %dma_start3A = tpu.memref_slice %arg2[%mul3A_0] : memref<4096xi32, #tpu.memory_space<hbm>> -> memref<128xi32, #tpu.memory_space<hbm>>
    %dma_start3A_1 = tpu.memref_slice %arg2[%mul3A_0] : memref<4096xi32, #tpu.memory_space<hbm>> -> memref<128xi32, #tpu.memory_space<hbm>>
    tpu.enqueue_dma source(%dma_start3A_1 : memref<128xi32, #tpu.memory_space<hbm>>) target(%arg9 : memref<128xi32, #tpu.memory_space<vmem>>) target_semaphore(%arg18 : memref<!tpu.dma_semaphore, #tpu.memory_space<semaphore_mem>>)
    %add3A = arith.constant 128 : i32
    %add3A_2 = arith.addi %mul3A_0, %add3A : i32
    %dma_start3A_3 = tpu.memref_slice %arg2[%add3A_2] : memref<4096xi32, #tpu.memory_space<hbm>> -> memref<128xi32, #tpu.memory_space<hbm>>
    %dma_start3A_4 = tpu.memref_slice %arg2[%add3A_2] : memref<4096xi32, #tpu.memory_space<hbm>> -> memref<128xi32, #tpu.memory_space<hbm>>
    tpu.enqueue_dma source(%dma_start3A_4 : memref<128xi32, #tpu.memory_space<hbm>>) target(%arg10 : memref<128xi32, #tpu.memory_space<vmem>>) target_semaphore(%arg18 : memref<!tpu.dma_semaphore, #tpu.memory_space<semaphore_mem>>)
    %dma_start3A_5 = arith.constant 0 : i32
    %dma_start3A_6 = tpu.memref_slice %arg3[%dma_start3A_5, %mul3A_0] : memref<1x4096xi32, #tpu.memory_space<hbm>> -> memref<1x128xi32, #tpu.memory_space<hbm>>
    %dma_start3A_7 = tpu.memref_squeeze %dma_start3A_6 : memref<1x128xi32, #tpu.memory_space<hbm>> -> memref<128xi32, #tpu.memory_space<hbm>>
    %dma_start3A_8 = tpu.memref_slice %arg3[%dma_start3A_5, %mul3A_0] : memref<1x4096xi32, #tpu.memory_space<hbm>> -> memref<1x128xi32, #tpu.memory_space<hbm>>
    %dma_start3A_9 = tpu.memref_squeeze %dma_start3A_8 : memref<1x128xi32, #tpu.memory_space<hbm>> -> memref<128xi32, #tpu.memory_space<hbm>>
    tpu.enqueue_dma source(%dma_start3A_9 : memref<128xi32, #tpu.memory_space<hbm>>) target(%arg11 : memref<128xi32, #tpu.memory_space<vmem>>) target_semaphore(%arg18 : memref<!tpu.dma_semaphore, #tpu.memory_space<semaphore_mem>>)
    %add3A_10 = arith.constant 128 : i32
    %add3A_11 = arith.addi %mul3A_0, %add3A_10 : i32
    %dma_start3A_12 = arith.constant 0 : i32
    %dma_start3A_13 = tpu.memref_slice %arg3[%dma_start3A_12, %add3A_11] : memref<1x4096xi32, #tpu.memory_space<hbm>> -> memref<1x128xi32, #tpu.memory_space<hbm>>
    %dma_start3A_14 = tpu.memref_squeeze %dma_start3A_13 : memref<1x128xi32, #tpu.memory_space<hbm>> -> memref<128xi32, #tpu.memory_space<hbm>>
    %dma_start3A_15 = tpu.memref_slice %arg3[%dma_start3A_12, %add3A_11] : memref<1x4096xi32, #tpu.memory_space<hbm>> -> memref<1x128xi32, #tpu.memory_space<hbm>>
    %dma_start3A_16 = tpu.memref_squeeze %dma_start3A_15 : memref<1x128xi32, #tpu.memory_space<hbm>> -> memref<128xi32, #tpu.memory_space<hbm>>
    tpu.enqueue_dma source(%dma_start3A_16 : memref<128xi32, #tpu.memory_space<hbm>>) target(%arg12 : memref<128xi32, #tpu.memory_space<vmem>>) target_semaphore(%arg18 : memref<!tpu.dma_semaphore, #tpu.memory_space<semaphore_mem>>)
    tpu.enqueue_dma source(%arg5 : memref<128x128xf32, #tpu.memory_space<hbm>>) target(%arg15 : memref<128x128xf32, #tpu.memory_space<vmem>>) target_semaphore(%arg18 : memref<!tpu.dma_semaphore, #tpu.memory_space<semaphore_mem>>)
    tpu.enqueue_dma source(%arg6 : memref<128x128xf32, #tpu.memory_space<hbm>>) target(%arg14 : memref<128x128xf32, #tpu.memory_space<vmem>>) target_semaphore(%arg18 : memref<!tpu.dma_semaphore, #tpu.memory_space<semaphore_mem>>)
    %dma_wait3A = tpu.memref_slice %arg2[%mul3A_0] : memref<4096xi32, #tpu.memory_space<hbm>> -> memref<128xi32, #tpu.memory_space<hbm>>
    %dma_wait3A_17 = tpu.memref_slice %arg2[%mul3A_0] : memref<4096xi32, #tpu.memory_space<hbm>> -> memref<128xi32, #tpu.memory_space<hbm>>
    tpu.wait_dma2 semaphore(%arg18 : memref<!tpu.dma_semaphore, #tpu.memory_space<semaphore_mem>>) src(%dma_wait3A_17 : memref<128xi32, #tpu.memory_space<hbm>>) dst(%arg9 : memref<128xi32, #tpu.memory_space<vmem>>)
    %dma_wait3A_18 = tpu.memref_slice %arg2[%add3A_2] : memref<4096xi32, #tpu.memory_space<hbm>> -> memref<128xi32, #tpu.memory_space<hbm>>
    %dma_wait3A_19 = tpu.memref_slice %arg2[%add3A_2] : memref<4096xi32, #tpu.memory_space<hbm>> -> memref<128xi32, #tpu.memory_space<hbm>>
    tpu.wait_dma2 semaphore(%arg18 : memref<!tpu.dma_semaphore, #tpu.memory_space<semaphore_mem>>) src(%dma_wait3A_19 : memref<128xi32, #tpu.memory_space<hbm>>) dst(%arg10 : memref<128xi32, #tpu.memory_space<vmem>>)
    %dma_wait3A_20 = arith.constant 0 : i32
    %dma_wait3A_21 = tpu.memref_slice %arg3[%dma_wait3A_20, %mul3A_0] : memref<1x4096xi32, #tpu.memory_space<hbm>> -> memref<1x128xi32, #tpu.memory_space<hbm>>
    %dma_wait3A_22 = tpu.memref_squeeze %dma_wait3A_21 : memref<1x128xi32, #tpu.memory_space<hbm>> -> memref<128xi32, #tpu.memory_space<hbm>>
    %dma_wait3A_23 = tpu.memref_slice %arg3[%dma_wait3A_20, %mul3A_0] : memref<1x4096xi32, #tpu.memory_space<hbm>> -> memref<1x128xi32, #tpu.memory_space<hbm>>
    %dma_wait3A_24 = tpu.memref_squeeze %dma_wait3A_23 : memref<1x128xi32, #tpu.memory_space<hbm>> -> memref<128xi32, #tpu.memory_space<hbm>>
    tpu.wait_dma2 semaphore(%arg18 : memref<!tpu.dma_semaphore, #tpu.memory_space<semaphore_mem>>) src(%dma_wait3A_24 : memref<128xi32, #tpu.memory_space<hbm>>) dst(%arg11 : memref<128xi32, #tpu.memory_space<vmem>>)
    %dma_wait3A_25 = arith.constant 0 : i32
    %dma_wait3A_26 = tpu.memref_slice %arg3[%dma_wait3A_25, %add3A_11] : memref<1x4096xi32, #tpu.memory_space<hbm>> -> memref<1x128xi32, #tpu.memory_space<hbm>>
    %dma_wait3A_27 = tpu.memref_squeeze %dma_wait3A_26 : memref<1x128xi32, #tpu.memory_space<hbm>> -> memref<128xi32, #tpu.memory_space<hbm>>
    %dma_wait3A_28 = tpu.memref_slice %arg3[%dma_wait3A_25, %add3A_11] : memref<1x4096xi32, #tpu.memory_space<hbm>> -> memref<1x128xi32, #tpu.memory_space<hbm>>
    %dma_wait3A_29 = tpu.memref_squeeze %dma_wait3A_28 : memref<1x128xi32, #tpu.memory_space<hbm>> -> memref<128xi32, #tpu.memory_space<hbm>>
    tpu.wait_dma2 semaphore(%arg18 : memref<!tpu.dma_semaphore, #tpu.memory_space<semaphore_mem>>) src(%dma_wait3A_29 : memref<128xi32, #tpu.memory_space<hbm>>) dst(%arg12 : memref<128xi32, #tpu.memory_space<vmem>>)
    tpu.wait_dma2 semaphore(%arg18 : memref<!tpu.dma_semaphore, #tpu.memory_space<semaphore_mem>>) src(%arg5 : memref<128x128xf32, #tpu.memory_space<hbm>>) dst(%arg15 : memref<128x128xf32, #tpu.memory_space<vmem>>)
    tpu.wait_dma2 semaphore(%arg18 : memref<!tpu.dma_semaphore, #tpu.memory_space<semaphore_mem>>) src(%arg6 : memref<128x128xf32, #tpu.memory_space<hbm>>) dst(%arg14 : memref<128x128xf32, #tpu.memory_space<vmem>>)
    "tpu.region"() ({
      %run_scoped3A = tpu.sem_alloc : memref<!tpu.dma_semaphore, #tpu.memory_space<semaphore_mem>>
      %dma_start3A_55 = arith.constant 0 : i32
      %dma_start3A_56 = tpu.memref_slice %arg17[%mul3A_0, %dma_start3A_55] : memref<4096x128xf32, #tpu.memory_space<vmem_shared>> -> memref<128x128xf32, #tpu.memory_space<vmem_shared>>
      %dma_start3A_57 = arith.constant 0 : i32
      %dma_start3A_58 = tpu.memref_slice %arg17[%mul3A_0, %dma_start3A_57] : memref<4096x128xf32, #tpu.memory_space<vmem_shared>> -> memref<128x128xf32, #tpu.memory_space<vmem_shared>>
      tpu.enqueue_dma source(%arg15 : memref<128x128xf32, #tpu.memory_space<vmem>>) target(%dma_start3A_58 : memref<128x128xf32, #tpu.memory_space<vmem_shared>>) target_semaphore(%run_scoped3A : memref<!tpu.dma_semaphore, #tpu.memory_space<semaphore_mem>>)
      %dma_wait3A_59 = arith.constant 0 : i32
      %dma_wait3A_60 = tpu.memref_slice %arg17[%mul3A_0, %dma_wait3A_59] : memref<4096x128xf32, #tpu.memory_space<vmem_shared>> -> memref<128x128xf32, #tpu.memory_space<vmem_shared>>
      %dma_wait3A_61 = arith.constant 0 : i32
      %dma_wait3A_62 = tpu.memref_slice %arg17[%mul3A_0, %dma_wait3A_61] : memref<4096x128xf32, #tpu.memory_space<vmem_shared>> -> memref<128x128xf32, #tpu.memory_space<vmem_shared>>
      tpu.wait_dma2 semaphore(%run_scoped3A : memref<!tpu.dma_semaphore, #tpu.memory_space<semaphore_mem>>) src(%arg15 : memref<128x128xf32, #tpu.memory_space<vmem>>) dst(%dma_wait3A_62 : memref<128x128xf32, #tpu.memory_space<vmem_shared>>)
      tpu.yield
    }) : () -> ()
    %add3A_30 = arith.constant 128 : i32
    %add3A_31 = arith.addi %mul3A_0, %add3A_30 : i32
    "tpu.region"() ({
      %run_scoped3A = tpu.sem_alloc : memref<!tpu.dma_semaphore, #tpu.memory_space<semaphore_mem>>
      %dma_start3A_55 = arith.constant 0 : i32
      %dma_start3A_56 = tpu.memref_slice %arg17[%add3A_31, %dma_start3A_55] : memref<4096x128xf32, #tpu.memory_space<vmem_shared>> -> memref<128x128xf32, #tpu.memory_space<vmem_shared>>
      %dma_start3A_57 = arith.constant 0 : i32
      %dma_start3A_58 = tpu.memref_slice %arg17[%add3A_31, %dma_start3A_57] : memref<4096x128xf32, #tpu.memory_space<vmem_shared>> -> memref<128x128xf32, #tpu.memory_space<vmem_shared>>
      tpu.enqueue_dma source(%arg15 : memref<128x128xf32, #tpu.memory_space<vmem>>) target(%dma_start3A_58 : memref<128x128xf32, #tpu.memory_space<vmem_shared>>) target_semaphore(%run_scoped3A : memref<!tpu.dma_semaphore, #tpu.memory_space<semaphore_mem>>)
      %dma_wait3A_59 = arith.constant 0 : i32
      %dma_wait3A_60 = tpu.memref_slice %arg17[%add3A_31, %dma_wait3A_59] : memref<4096x128xf32, #tpu.memory_space<vmem_shared>> -> memref<128x128xf32, #tpu.memory_space<vmem_shared>>
      %dma_wait3A_61 = arith.constant 0 : i32
      %dma_wait3A_62 = tpu.memref_slice %arg17[%add3A_31, %dma_wait3A_61] : memref<4096x128xf32, #tpu.memory_space<vmem_shared>> -> memref<128x128xf32, #tpu.memory_space<vmem_shared>>
      tpu.wait_dma2 semaphore(%run_scoped3A : memref<!tpu.dma_semaphore, #tpu.memory_space<semaphore_mem>>) src(%arg15 : memref<128x128xf32, #tpu.memory_space<vmem>>) dst(%dma_wait3A_62 : memref<128x128xf32, #tpu.memory_space<vmem_shared>>)
      tpu.yield
    }) : () -> ()
    %eq3A = arith.constant 0 : i32
    %eq3A_32 = arith.cmpi eq, %arg0, %eq3A : i32
    %convert_element_type3A = arith.extui %eq3A_32 : i1 to i32
    %cond3A = arith.constant 0 : i32
    %cond3A_33 = arith.cmpi ne, %convert_element_type3A, %cond3A : i32
    scf.if %cond3A_33 {
      %dma_start3A_55 = arith.constant 0 : i32
      %dma_start3A_56 = arith.constant 0 : i32
      %dma_start3A_57 = tpu.memref_slice %arg4[%dma_start3A_55, %dma_start3A_56] : memref<256x128xf32, #tpu.memory_space<hbm>> -> memref<256x128xf32, #tpu.memory_space<hbm>>
      tpu.enqueue_indirect_dma source(%dma_start3A_57 : memref<256x128xf32, #tpu.memory_space<hbm>>) target(%arg13 : memref<128x128xf32, #tpu.memory_space<vmem>>) offsets(%arg9 : memref<128xi32, #tpu.memory_space<vmem>>) semaphore(%arg18 : memref<!tpu.dma_semaphore, #tpu.memory_space<semaphore_mem>>)
      %dma_wait3A_58 = arith.constant 0 : i32
      %dma_wait3A_59 = arith.constant 0 : i32
      %dma_wait3A_60 = tpu.memref_slice %arg4[%dma_wait3A_58, %dma_wait3A_59] : memref<256x128xf32, #tpu.memory_space<hbm>> -> memref<256x128xf32, #tpu.memory_space<hbm>>
      tpu.wait_indirect_dma semaphore(%arg18 : memref<!tpu.dma_semaphore, #tpu.memory_space<semaphore_mem>>) src(%dma_wait3A_60 : memref<256x128xf32, #tpu.memory_space<hbm>>) dst(%arg13 : memref<128x128xf32, #tpu.memory_space<vmem>>)
    } else {
    }
    %barrier3A = arith.constant 0 : index
    tpu.barrier barrier_id(%barrier3A)
    %eq3A_34 = arith.constant 0 : i32
    %eq3A_35 = arith.cmpi eq, %arg0, %eq3A_34 : i32
    %convert_element_type3A_36 = arith.extui %eq3A_35 : i1 to i32
    %cond3A_37 = arith.constant 0 : i32
    %cond3A_38 = arith.cmpi ne, %convert_element_type3A_36, %cond3A_37 : i32
    scf.if %cond3A_38 {
      "tpu.region"() ({
        %run_scoped3A = tpu.sem_alloc : memref<!tpu.dma_semaphore, #tpu.memory_space<semaphore_mem>>
        %dma_start3A_61 = arith.constant 0 : i32
        %dma_start3A_62 = arith.constant 0 : i32
        %dma_start3A_63 = tpu.memref_slice %arg17[%dma_start3A_61, %dma_start3A_62] : memref<4096x128xf32, #tpu.memory_space<vmem_shared>> -> memref<4096x128xf32, #tpu.memory_space<vmem_shared>>
        tpu.enqueue_indirect_dma source(%arg13 : memref<128x128xf32, #tpu.memory_space<vmem>>) target(%dma_start3A_63 : memref<4096x128xf32, #tpu.memory_space<vmem_shared>>) offsets(%arg11 : memref<128xi32, #tpu.memory_space<vmem>>) semaphore(%run_scoped3A : memref<!tpu.dma_semaphore, #tpu.memory_space<semaphore_mem>>) {add = true}
        %dma_wait3A_64 = arith.constant 0 : i32
        %dma_wait3A_65 = arith.constant 0 : i32
        %dma_wait3A_66 = tpu.memref_slice %arg17[%dma_wait3A_64, %dma_wait3A_65] : memref<4096x128xf32, #tpu.memory_space<vmem_shared>> -> memref<4096x128xf32, #tpu.memory_space<vmem_shared>>
        tpu.wait_indirect_dma semaphore(%run_scoped3A : memref<!tpu.dma_semaphore, #tpu.memory_space<semaphore_mem>>) src(%arg13 : memref<128x128xf32, #tpu.memory_space<vmem>>) dst(%dma_wait3A_66 : memref<4096x128xf32, #tpu.memory_space<vmem_shared>>)
        tpu.yield
      }) : () -> ()
      %dma_start3A_55 = arith.constant 0 : i32
      %dma_start3A_56 = arith.constant 0 : i32
      %dma_start3A_57 = tpu.memref_slice %arg4[%dma_start3A_55, %dma_start3A_56] : memref<256x128xf32, #tpu.memory_space<hbm>> -> memref<256x128xf32, #tpu.memory_space<hbm>>
      tpu.enqueue_indirect_dma source(%dma_start3A_57 : memref<256x128xf32, #tpu.memory_space<hbm>>) target(%arg13 : memref<128x128xf32, #tpu.memory_space<vmem>>) offsets(%arg10 : memref<128xi32, #tpu.memory_space<vmem>>) semaphore(%arg18 : memref<!tpu.dma_semaphore, #tpu.memory_space<semaphore_mem>>)
      %dma_wait3A_58 = arith.constant 0 : i32
      %dma_wait3A_59 = arith.constant 0 : i32
      %dma_wait3A_60 = tpu.memref_slice %arg4[%dma_wait3A_58, %dma_wait3A_59] : memref<256x128xf32, #tpu.memory_space<hbm>> -> memref<256x128xf32, #tpu.memory_space<hbm>>
      tpu.wait_indirect_dma semaphore(%arg18 : memref<!tpu.dma_semaphore, #tpu.memory_space<semaphore_mem>>) src(%dma_wait3A_60 : memref<256x128xf32, #tpu.memory_space<hbm>>) dst(%arg13 : memref<128x128xf32, #tpu.memory_space<vmem>>)
      "tpu.region"() ({
        %run_scoped3A = tpu.sem_alloc : memref<!tpu.dma_semaphore, #tpu.memory_space<semaphore_mem>>
        %dma_start3A_61 = arith.constant 0 : i32
        %dma_start3A_62 = arith.constant 0 : i32
        %dma_start3A_63 = tpu.memref_slice %arg17[%dma_start3A_61, %dma_start3A_62] : memref<4096x128xf32, #tpu.memory_space<vmem_shared>> -> memref<4096x128xf32, #tpu.memory_space<vmem_shared>>
        tpu.enqueue_indirect_dma source(%arg13 : memref<128x128xf32, #tpu.memory_space<vmem>>) target(%dma_start3A_63 : memref<4096x128xf32, #tpu.memory_space<vmem_shared>>) offsets(%arg12 : memref<128xi32, #tpu.memory_space<vmem>>) semaphore(%run_scoped3A : memref<!tpu.dma_semaphore, #tpu.memory_space<semaphore_mem>>) {add = true}
        %dma_wait3A_64 = arith.constant 0 : i32
        %dma_wait3A_65 = arith.constant 0 : i32
        %dma_wait3A_66 = tpu.memref_slice %arg17[%dma_wait3A_64, %dma_wait3A_65] : memref<4096x128xf32, #tpu.memory_space<vmem_shared>> -> memref<4096x128xf32, #tpu.memory_space<vmem_shared>>
        tpu.wait_indirect_dma semaphore(%run_scoped3A : memref<!tpu.dma_semaphore, #tpu.memory_space<semaphore_mem>>) src(%arg13 : memref<128x128xf32, #tpu.memory_space<vmem>>) dst(%dma_wait3A_66 : memref<4096x128xf32, #tpu.memory_space<vmem_shared>>)
        tpu.yield
      }) : () -> ()
    } else {
    }
    %eq3A_39 = arith.constant 1 : i32
    %eq3A_40 = arith.cmpi eq, %arg0, %eq3A_39 : i32
    %convert_element_type3A_41 = arith.extui %eq3A_40 : i1 to i32
    %cond3A_42 = arith.constant 0 : i32
    %cond3A_43 = arith.cmpi ne, %convert_element_type3A_41, %cond3A_42 : i32
    scf.if %cond3A_43 {
      "tpu.region"() ({
        %run_scoped3A = tpu.sem_alloc : memref<!tpu.dma_semaphore, #tpu.memory_space<semaphore_mem>>
        %dma_start3A_55 = arith.constant 0 : i32
        %dma_start3A_56 = arith.constant 0 : i32
        %dma_start3A_57 = tpu.memref_slice %arg17[%dma_start3A_55, %dma_start3A_56] : memref<4096x128xf32, #tpu.memory_space<vmem_shared>> -> memref<4096x128xf32, #tpu.memory_space<vmem_shared>>
        tpu.enqueue_indirect_dma source(%arg14 : memref<128x128xf32, #tpu.memory_space<vmem>>) target(%dma_start3A_57 : memref<4096x128xf32, #tpu.memory_space<vmem_shared>>) offsets(%arg11 : memref<128xi32, #tpu.memory_space<vmem>>) semaphore(%run_scoped3A : memref<!tpu.dma_semaphore, #tpu.memory_space<semaphore_mem>>) {add = true}
        %dma_wait3A_58 = arith.constant 0 : i32
        %dma_wait3A_59 = arith.constant 0 : i32
        %dma_wait3A_60 = tpu.memref_slice %arg17[%dma_wait3A_58, %dma_wait3A_59] : memref<4096x128xf32, #tpu.memory_space<vmem_shared>> -> memref<4096x128xf32, #tpu.memory_space<vmem_shared>>
        tpu.wait_indirect_dma semaphore(%run_scoped3A : memref<!tpu.dma_semaphore, #tpu.memory_space<semaphore_mem>>) src(%arg14 : memref<128x128xf32, #tpu.memory_space<vmem>>) dst(%dma_wait3A_60 : memref<4096x128xf32, #tpu.memory_space<vmem_shared>>)
        tpu.yield
      }) : () -> ()
      "tpu.region"() ({
        %run_scoped3A = tpu.sem_alloc : memref<!tpu.dma_semaphore, #tpu.memory_space<semaphore_mem>>
        %dma_start3A_55 = arith.constant 0 : i32
        %dma_start3A_56 = arith.constant 0 : i32
        %dma_start3A_57 = tpu.memref_slice %arg17[%dma_start3A_55, %dma_start3A_56] : memref<4096x128xf32, #tpu.memory_space<vmem_shared>> -> memref<4096x128xf32, #tpu.memory_space<vmem_shared>>
        tpu.enqueue_indirect_dma source(%arg14 : memref<128x128xf32, #tpu.memory_space<vmem>>) target(%dma_start3A_57 : memref<4096x128xf32, #tpu.memory_space<vmem_shared>>) offsets(%arg12 : memref<128xi32, #tpu.memory_space<vmem>>) semaphore(%run_scoped3A : memref<!tpu.dma_semaphore, #tpu.memory_space<semaphore_mem>>) {add = true}
        %dma_wait3A_58 = arith.constant 0 : i32
        %dma_wait3A_59 = arith.constant 0 : i32
        %dma_wait3A_60 = tpu.memref_slice %arg17[%dma_wait3A_58, %dma_wait3A_59] : memref<4096x128xf32, #tpu.memory_space<vmem_shared>> -> memref<4096x128xf32, #tpu.memory_space<vmem_shared>>
        tpu.wait_indirect_dma semaphore(%run_scoped3A : memref<!tpu.dma_semaphore, #tpu.memory_space<semaphore_mem>>) src(%arg14 : memref<128x128xf32, #tpu.memory_space<vmem>>) dst(%dma_wait3A_60 : memref<4096x128xf32, #tpu.memory_space<vmem_shared>>)
        tpu.yield
      }) : () -> ()
    } else {
    }
    %barrier3A_44 = arith.constant 0 : index
    tpu.barrier barrier_id(%barrier3A_44)
    %eq3A_45 = arith.constant 0 : i32
    %eq3A_46 = arith.cmpi eq, %arg0, %eq3A_45 : i32
    %convert_element_type3A_47 = arith.extui %eq3A_46 : i1 to i32
    %cond3A_48 = arith.constant 0 : i32
    %cond3A_49 = arith.cmpi ne, %convert_element_type3A_47, %cond3A_48 : i32
    scf.if %cond3A_49 {
      %add3A_55 = arith.constant 0 : i32
      %add3A_56 = arith.addi %mul3A_0, %add3A_55 : i32
      "tpu.region"() ({
        %run_scoped3A = tpu.sem_alloc : memref<!tpu.dma_semaphore, #tpu.memory_space<semaphore_mem>>
        %dma_start3A_63 = arith.constant 0 : i32
        %dma_start3A_64 = tpu.memref_slice %arg17[%add3A_56, %dma_start3A_63] : memref<4096x128xf32, #tpu.memory_space<vmem_shared>> -> memref<128x128xf32, #tpu.memory_space<vmem_shared>>
        %dma_start3A_65 = arith.constant 0 : i32
        %dma_start3A_66 = tpu.memref_slice %arg17[%add3A_56, %dma_start3A_65] : memref<4096x128xf32, #tpu.memory_space<vmem_shared>> -> memref<128x128xf32, #tpu.memory_space<vmem_shared>>
        tpu.enqueue_dma source(%dma_start3A_66 : memref<128x128xf32, #tpu.memory_space<vmem_shared>>) target(%arg13 : memref<128x128xf32, #tpu.memory_space<vmem>>) target_semaphore(%run_scoped3A : memref<!tpu.dma_semaphore, #tpu.memory_space<semaphore_mem>>)
        %dma_wait3A_67 = arith.constant 0 : i32
        %dma_wait3A_68 = tpu.memref_slice %arg17[%add3A_56, %dma_wait3A_67] : memref<4096x128xf32, #tpu.memory_space<vmem_shared>> -> memref<128x128xf32, #tpu.memory_space<vmem_shared>>
        %dma_wait3A_69 = arith.constant 0 : i32
        %dma_wait3A_70 = tpu.memref_slice %arg17[%add3A_56, %dma_wait3A_69] : memref<4096x128xf32, #tpu.memory_space<vmem_shared>> -> memref<128x128xf32, #tpu.memory_space<vmem_shared>>
        tpu.wait_dma2 semaphore(%run_scoped3A : memref<!tpu.dma_semaphore, #tpu.memory_space<semaphore_mem>>) src(%dma_wait3A_70 : memref<128x128xf32, #tpu.memory_space<vmem_shared>>) dst(%arg13 : memref<128x128xf32, #tpu.memory_space<vmem>>)
        tpu.yield
      }) : () -> ()
      %add3A_57 = arith.constant 0 : i32
      %add3A_58 = arith.addi %mul3A_0, %add3A_57 : i32
      "tpu.region"() ({
        %run_scoped3A = tpu.sem_alloc : memref<!tpu.dma_semaphore, #tpu.memory_space<semaphore_mem>>
        %dma_start3A_63 = arith.constant 0 : i32
        %dma_start3A_64 = tpu.memref_slice %arg7[%add3A_58, %dma_start3A_63] : memref<4096x128xf32, #tpu.memory_space<hbm>> -> memref<128x128xf32, #tpu.memory_space<hbm>>
        %dma_start3A_65 = arith.constant 0 : i32
        %dma_start3A_66 = tpu.memref_slice %arg7[%add3A_58, %dma_start3A_65] : memref<4096x128xf32, #tpu.memory_space<hbm>> -> memref<128x128xf32, #tpu.memory_space<hbm>>
        tpu.enqueue_dma source(%arg13 : memref<128x128xf32, #tpu.memory_space<vmem>>) target(%dma_start3A_66 : memref<128x128xf32, #tpu.memory_space<hbm>>) target_semaphore(%run_scoped3A : memref<!tpu.dma_semaphore, #tpu.memory_space<semaphore_mem>>)
        %dma_wait3A_67 = arith.constant 0 : i32
        %dma_wait3A_68 = tpu.memref_slice %arg7[%add3A_58, %dma_wait3A_67] : memref<4096x128xf32, #tpu.memory_space<hbm>> -> memref<128x128xf32, #tpu.memory_space<hbm>>
        %dma_wait3A_69 = arith.constant 0 : i32
        %dma_wait3A_70 = tpu.memref_slice %arg7[%add3A_58, %dma_wait3A_69] : memref<4096x128xf32, #tpu.memory_space<hbm>> -> memref<128x128xf32, #tpu.memory_space<hbm>>
        tpu.wait_dma2 semaphore(%run_scoped3A : memref<!tpu.dma_semaphore, #tpu.memory_space<semaphore_mem>>) src(%arg13 : memref<128x128xf32, #tpu.memory_space<vmem>>) dst(%dma_wait3A_70 : memref<128x128xf32, #tpu.memory_space<hbm>>)
        tpu.yield
      }) : () -> ()
      %add3A_59 = arith.constant 128 : i32
      %add3A_60 = arith.addi %mul3A_0, %add3A_59 : i32
      "tpu.region"() ({
        %run_scoped3A = tpu.sem_alloc : memref<!tpu.dma_semaphore, #tpu.memory_space<semaphore_mem>>
        %dma_start3A_63 = arith.constant 0 : i32
        %dma_start3A_64 = tpu.memref_slice %arg17[%add3A_60, %dma_start3A_63] : memref<4096x128xf32, #tpu.memory_space<vmem_shared>> -> memref<128x128xf32, #tpu.memory_space<vmem_shared>>
        %dma_start3A_65 = arith.constant 0 : i32
        %dma_start3A_66 = tpu.memref_slice %arg17[%add3A_60, %dma_start3A_65] : memref<4096x128xf32, #tpu.memory_space<vmem_shared>> -> memref<128x128xf32, #tpu.memory_space<vmem_shared>>
        tpu.enqueue_dma source(%dma_start3A_66 : memref<128x128xf32, #tpu.memory_space<vmem_shared>>) target(%arg13 : memref<128x128xf32, #tpu.memory_space<vmem>>) target_semaphore(%run_scoped3A : memref<!tpu.dma_semaphore, #tpu.memory_space<semaphore_mem>>)
        %dma_wait3A_67 = arith.constant 0 : i32
        %dma_wait3A_68 = tpu.memref_slice %arg17[%add3A_60, %dma_wait3A_67] : memref<4096x128xf32, #tpu.memory_space<vmem_shared>> -> memref<128x128xf32, #tpu.memory_space<vmem_shared>>
        %dma_wait3A_69 = arith.constant 0 : i32
        %dma_wait3A_70 = tpu.memref_slice %arg17[%add3A_60, %dma_wait3A_69] : memref<4096x128xf32, #tpu.memory_space<vmem_shared>> -> memref<128x128xf32, #tpu.memory_space<vmem_shared>>
        tpu.wait_dma2 semaphore(%run_scoped3A : memref<!tpu.dma_semaphore, #tpu.memory_space<semaphore_mem>>) src(%dma_wait3A_70 : memref<128x128xf32, #tpu.memory_space<vmem_shared>>) dst(%arg13 : memref<128x128xf32, #tpu.memory_space<vmem>>)
        tpu.yield
      }) : () -> ()
      %add3A_61 = arith.constant 128 : i32
      %add3A_62 = arith.addi %mul3A_0, %add3A_61 : i32
      "tpu.region"() ({
        %run_scoped3A = tpu.sem_alloc : memref<!tpu.dma_semaphore, #tpu.memory_space<semaphore_mem>>
        %dma_start3A_63 = arith.constant 0 : i32
        %dma_start3A_64 = tpu.memref_slice %arg7[%add3A_62, %dma_start3A_63] : memref<4096x128xf32, #tpu.memory_space<hbm>> -> memref<128x128xf32, #tpu.memory_space<hbm>>
        %dma_start3A_65 = arith.constant 0 : i32
        %dma_start3A_66 = tpu.memref_slice %arg7[%add3A_62, %dma_start3A_65] : memref<4096x128xf32, #tpu.memory_space<hbm>> -> memref<128x128xf32, #tpu.memory_space<hbm>>
        tpu.enqueue_dma source(%arg13 : memref<128x128xf32, #tpu.memory_space<vmem>>) target(%dma_start3A_66 : memref<128x128xf32, #tpu.memory_space<hbm>>) target_semaphore(%run_scoped3A : memref<!tpu.dma_semaphore, #tpu.memory_space<semaphore_mem>>)
        %dma_wait3A_67 = arith.constant 0 : i32
        %dma_wait3A_68 = tpu.memref_slice %arg7[%add3A_62, %dma_wait3A_67] : memref<4096x128xf32, #tpu.memory_space<hbm>> -> memref<128x128xf32, #tpu.memory_space<hbm>>
        %dma_wait3A_69 = arith.constant 0 : i32
        %dma_wait3A_70 = tpu.memref_slice %arg7[%add3A_62, %dma_wait3A_69] : memref<4096x128xf32, #tpu.memory_space<hbm>> -> memref<128x128xf32, #tpu.memory_space<hbm>>
        tpu.wait_dma2 semaphore(%run_scoped3A : memref<!tpu.dma_semaphore, #tpu.memory_space<semaphore_mem>>) src(%arg13 : memref<128x128xf32, #tpu.memory_space<vmem>>) dst(%dma_wait3A_70 : memref<128x128xf32, #tpu.memory_space<hbm>>)
        tpu.yield
      }) : () -> ()
    } else {
    }
    %eq3A_50 = arith.constant 1 : i32
    %eq3A_51 = arith.cmpi eq, %arg0, %eq3A_50 : i32
    %convert_element_type3A_52 = arith.extui %eq3A_51 : i1 to i32
    %cond3A_53 = arith.constant 0 : i32
    %cond3A_54 = arith.cmpi ne, %convert_element_type3A_52, %cond3A_53 : i32
    scf.if %cond3A_54 {
      %add3A_55 = arith.constant 0 : i32
      %add3A_56 = arith.addi %mul3A_0, %add3A_55 : i32
      "tpu.region"() ({
        %run_scoped3A = tpu.sem_alloc : memref<!tpu.dma_semaphore, #tpu.memory_space<semaphore_mem>>
        %dma_start3A_72 = arith.constant 0 : i32
        %dma_start3A_73 = tpu.memref_slice %arg17[%add3A_56, %dma_start3A_72] : memref<4096x128xf32, #tpu.memory_space<vmem_shared>> -> memref<128x128xf32, #tpu.memory_space<vmem_shared>>
        %dma_start3A_74 = arith.constant 0 : i32
        %dma_start3A_75 = tpu.memref_slice %arg17[%add3A_56, %dma_start3A_74] : memref<4096x128xf32, #tpu.memory_space<vmem_shared>> -> memref<128x128xf32, #tpu.memory_space<vmem_shared>>
        tpu.enqueue_dma source(%dma_start3A_75 : memref<128x128xf32, #tpu.memory_space<vmem_shared>>) target(%arg15 : memref<128x128xf32, #tpu.memory_space<vmem>>) target_semaphore(%run_scoped3A : memref<!tpu.dma_semaphore, #tpu.memory_space<semaphore_mem>>)
        %dma_wait3A_76 = arith.constant 0 : i32
        %dma_wait3A_77 = tpu.memref_slice %arg17[%add3A_56, %dma_wait3A_76] : memref<4096x128xf32, #tpu.memory_space<vmem_shared>> -> memref<128x128xf32, #tpu.memory_space<vmem_shared>>
        %dma_wait3A_78 = arith.constant 0 : i32
        %dma_wait3A_79 = tpu.memref_slice %arg17[%add3A_56, %dma_wait3A_78] : memref<4096x128xf32, #tpu.memory_space<vmem_shared>> -> memref<128x128xf32, #tpu.memory_space<vmem_shared>>
        tpu.wait_dma2 semaphore(%run_scoped3A : memref<!tpu.dma_semaphore, #tpu.memory_space<semaphore_mem>>) src(%dma_wait3A_79 : memref<128x128xf32, #tpu.memory_space<vmem_shared>>) dst(%arg15 : memref<128x128xf32, #tpu.memory_space<vmem>>)
        tpu.yield
      }) : () -> ()
      %scan3A = arith.constant 0 : i32
      %scan3A_57 = arith.constant 0 : i32
      %scan3A_58 = arith.constant 128 : i32
      %scan3A_59 = arith.addi %scan3A_57, %scan3A_58 : i32
      %scan3A_60 = arith.constant 1 : i32
      %scan3A_61 = scf.for %scan3A_72 = %scan3A_57 to %scan3A_59 step %scan3A_60 iter_args(%scan3A_73 = %scan3A) -> (i32)  : i32 {
        %get3A = arith.index_cast %scan3A_72 : i32 to index
        %get3A_74 = arith.constant 0 : index
        %get3A_75 = tpu.vector_load %arg15[%get3A, %get3A_74] {strides = array<i32>} : memref<128x128xf32, #tpu.memory_space<vmem>>, vector<1x16xf32>,
        %get3A_76 = vector.shape_cast %get3A_75 : vector<1x16xf32> to vector<16xf32>
        %add3A_77 = arith.constant 0 : i32
        %add3A_78 = arith.addi %add3A_77, %scan3A_72 : i32
        %swap3A = arith.index_cast %add3A_78 : i32 to index
        %swap3A_79 = arith.constant 0 : index
        %swap3A_80 = tpu.vector_load %arg16[%swap3A, %swap3A_79] {strides = array<i32>} : memref<256x16xf32, #tpu.memory_space<vmem>>, vector<1x16xf32>,
        %swap3A_81 = vector.shape_cast %swap3A_80 : vector<1x16xf32> to vector<16xf32>
        %swap3A_82 = vector.shape_cast %get3A_76 : vector<16xf32> to vector<1x16xf32>
        tpu.vector_store %arg16[%swap3A, %swap3A_79], %swap3A_82 {strides = array<i32>} : memref<256x16xf32, #tpu.memory_space<vmem>>, vector<1x16xf32>,
        %scan3A_83 = arith.constant 0 : i32
        scf.yield %scan3A_83 : i32
      }
      %scan3A_62 = arith.constant 128 : i32
      %add3A_63 = arith.constant 128 : i32
      %add3A_64 = arith.addi %mul3A_0, %add3A_63 : i32
      "tpu.region"() ({
        %run_scoped3A = tpu.sem_alloc : memref<!tpu.dma_semaphore, #tpu.memory_space<semaphore_mem>>
        %dma_start3A_72 = arith.constant 0 : i32
        %dma_start3A_73 = tpu.memref_slice %arg17[%add3A_64, %dma_start3A_72] : memref<4096x128xf32, #tpu.memory_space<vmem_shared>> -> memref<128x128xf32, #tpu.memory_space<vmem_shared>>
        %dma_start3A_74 = arith.constant 0 : i32
        %dma_start3A_75 = tpu.memref_slice %arg17[%add3A_64, %dma_start3A_74] : memref<4096x128xf32, #tpu.memory_space<vmem_shared>> -> memref<128x128xf32, #tpu.memory_space<vmem_shared>>
        tpu.enqueue_dma source(%dma_start3A_75 : memref<128x128xf32, #tpu.memory_space<vmem_shared>>) target(%arg15 : memref<128x128xf32, #tpu.memory_space<vmem>>) target_semaphore(%run_scoped3A : memref<!tpu.dma_semaphore, #tpu.memory_space<semaphore_mem>>)
        %dma_wait3A_76 = arith.constant 0 : i32
        %dma_wait3A_77 = tpu.memref_slice %arg17[%add3A_64, %dma_wait3A_76] : memref<4096x128xf32, #tpu.memory_space<vmem_shared>> -> memref<128x128xf32, #tpu.memory_space<vmem_shared>>
        %dma_wait3A_78 = arith.constant 0 : i32
        %dma_wait3A_79 = tpu.memref_slice %arg17[%add3A_64, %dma_wait3A_78] : memref<4096x128xf32, #tpu.memory_space<vmem_shared>> -> memref<128x128xf32, #tpu.memory_space<vmem_shared>>
        tpu.wait_dma2 semaphore(%run_scoped3A : memref<!tpu.dma_semaphore, #tpu.memory_space<semaphore_mem>>) src(%dma_wait3A_79 : memref<128x128xf32, #tpu.memory_space<vmem_shared>>) dst(%arg15 : memref<128x128xf32, #tpu.memory_space<vmem>>)
        tpu.yield
      }) : () -> ()
      %scan3A_65 = arith.constant 0 : i32
      %scan3A_66 = arith.constant 0 : i32
      %scan3A_67 = arith.constant 128 : i32
      %scan3A_68 = arith.addi %scan3A_66, %scan3A_67 : i32
      %scan3A_69 = arith.constant 1 : i32
      %scan3A_70 = scf.for %scan3A_72 = %scan3A_66 to %scan3A_68 step %scan3A_69 iter_args(%scan3A_73 = %scan3A_65) -> (i32)  : i32 {
        %get3A = arith.index_cast %scan3A_72 : i32 to index
        %get3A_74 = arith.constant 0 : index
        %get3A_75 = tpu.vector_load %arg15[%get3A, %get3A_74] {strides = array<i32>} : memref<128x128xf32, #tpu.memory_space<vmem>>, vector<1x16xf32>,
        %get3A_76 = vector.shape_cast %get3A_75 : vector<1x16xf32> to vector<16xf32>
        %add3A_77 = arith.constant 128 : i32
        %add3A_78 = arith.addi %add3A_77, %scan3A_72 : i32
        %swap3A = arith.index_cast %add3A_78 : i32 to index
        %swap3A_79 = arith.constant 0 : index
        %swap3A_80 = tpu.vector_load %arg16[%swap3A, %swap3A_79] {strides = array<i32>} : memref<256x16xf32, #tpu.memory_space<vmem>>, vector<1x16xf32>,
        %swap3A_81 = vector.shape_cast %swap3A_80 : vector<1x16xf32> to vector<16xf32>
        %swap3A_82 = vector.shape_cast %get3A_76 : vector<16xf32> to vector<1x16xf32>
        tpu.vector_store %arg16[%swap3A, %swap3A_79], %swap3A_82 {strides = array<i32>} : memref<256x16xf32, #tpu.memory_space<vmem>>, vector<1x16xf32>,
        %scan3A_83 = arith.constant 0 : i32
        scf.yield %scan3A_83 : i32
      }
      %scan3A_71 = arith.constant 128 : i32
      "tpu.region"() ({
        %run_scoped3A = tpu.sem_alloc : memref<!tpu.dma_semaphore, #tpu.memory_space<semaphore_mem>>
        %dma_start3A_72 = arith.constant 0 : i32
        %dma_start3A_73 = tpu.memref_slice %arg8[%mul3A_0, %dma_start3A_72] : memref<4096x16xf32, #tpu.memory_space<hbm>> -> memref<256x16xf32, #tpu.memory_space<hbm>>
        %dma_start3A_74 = arith.constant 0 : i32
        %dma_start3A_75 = tpu.memref_slice %arg8[%mul3A_0, %dma_start3A_74] : memref<4096x16xf32, #tpu.memory_space<hbm>> -> memref<256x16xf32, #tpu.memory_space<hbm>>
        tpu.enqueue_dma source(%arg16 : memref<256x16xf32, #tpu.memory_space<vmem>>) target(%dma_start3A_75 : memref<256x16xf32, #tpu.memory_space<hbm>>) target_semaphore(%run_scoped3A : memref<!tpu.dma_semaphore, #tpu.memory_space<semaphore_mem>>)
        %dma_wait3A_76 = arith.constant 0 : i32
        %dma_wait3A_77 = tpu.memref_slice %arg8[%mul3A_0, %dma_wait3A_76] : memref<4096x16xf32, #tpu.memory_space<hbm>> -> memref<256x16xf32, #tpu.memory_space<hbm>>
        %dma_wait3A_78 = arith.constant 0 : i32
        %dma_wait3A_79 = tpu.memref_slice %arg8[%mul3A_0, %dma_wait3A_78] : memref<4096x16xf32, #tpu.memory_space<hbm>> -> memref<256x16xf32, #tpu.memory_space<hbm>>
        tpu.wait_dma2 semaphore(%run_scoped3A : memref<!tpu.dma_semaphore, #tpu.memory_space<semaphore_mem>>) src(%arg16 : memref<256x16xf32, #tpu.memory_space<vmem>>) dst(%dma_wait3A_79 : memref<256x16xf32, #tpu.memory_space<hbm>>)
        tpu.yield
      }) : () -> ()
    } else {
    }
    return
  }
}

module attributes {stable_mosaic.version = 14 : i64} {
  func.func @_fuse_body(%arg0: i32, %arg1: memref<2048x128xf32, #tpu.memory_space<vmem>>, %arg2: memref<2048x16xf32, #tpu.memory_space<vmem>>, %arg3: memref<128x128xf32, #tpu.memory_space<vmem>>, %arg4: memref<1x128xf32, #tpu.memory_space<vmem>>, %arg5: memref<128x256xf32, #tpu.memory_space<vmem>>, %arg6: memref<1x256xf32, #tpu.memory_space<vmem>>, %arg7: memref<1x128xf32, #tpu.memory_space<vmem>>, %arg8: memref<2048x256xf32, #tpu.memory_space<vmem>>, %arg9: memref<2048x128xf32, #tpu.memory_space<vmem>>, %arg10: memref<2048x256xf32, #tpu.memory_space<vmem>>) attributes {dimension_semantics = [#tpu.dimension_semantics<arbitrary>], iteration_bounds = array<i64: 2>, scalar_prefetch = 0 : i64, scratch_operands = 0 : i64, tpu.core_type = #tpu.core_type<tc>, window_params = [{transform_indices = @transform_0, window_bounds = array<i64: 2048, 128>}, {transform_indices = @transform_1, window_bounds = array<i64: 2048, 16>}, {pipeline_mode = #tpu.pipeline_mode<synchronous>, transform_indices = @transform_2, window_bounds = array<i64: 128, 128>}, {pipeline_mode = #tpu.pipeline_mode<synchronous>, transform_indices = @transform_3, window_bounds = array<i64: 1, 128>}, {transform_indices = @transform_4, window_bounds = array<i64: 128, 256>}, {pipeline_mode = #tpu.pipeline_mode<synchronous>, transform_indices = @transform_5, window_bounds = array<i64: 1, 256>}, {pipeline_mode = #tpu.pipeline_mode<synchronous>, transform_indices = @transform_6, window_bounds = array<i64: 1, 128>}, {transform_indices = @transform_7, window_bounds = array<i64: 2048, 256>}, {transform_indices = @transform_8, window_bounds = array<i64: 2048, 128>}, {transform_indices = @transform_9, window_bounds = array<i64: 2048, 256>}]} {
    %get3A = arith.constant 0 : index
    %get3A_0 = arith.constant 0 : index
    %get3A_1 = vector.load %arg1[%get3A, %get3A_0] : memref<2048x128xf32, #tpu.memory_space<vmem>>, vector<2048x128xf32>
    %get3A_2 = arith.constant 0 : index
    %get3A_3 = arith.constant 0 : index
    %get3A_4 = vector.load %arg2[%get3A_2, %get3A_3] : memref<2048x16xf32, #tpu.memory_space<vmem>>, vector<2048x1xf32>
    %div3A = vector.broadcast %get3A_4 : vector<2048x1xf32> to vector<2048x128xf32>
    %div3A_5 = arith.divf %get3A_1, %div3A : vector<2048x128xf32>
    %swap3A = arith.constant 0 : index
    %swap3A_6 = arith.constant 0 : index
    %swap3A_7 = vector.load %arg9[%swap3A, %swap3A_6] : memref<2048x128xf32, #tpu.memory_space<vmem>>, vector<2048x128xf32>
    tpu.vector_store %arg9[%swap3A, %swap3A_6], %div3A_5 {strides = array<i32>} : memref<2048x128xf32, #tpu.memory_space<vmem>>, vector<2048x128xf32>,
    %get3A_8 = arith.constant 0 : index
    %get3A_9 = arith.constant 0 : index
    %get3A_10 = vector.load %arg3[%get3A_8, %get3A_9] : memref<128x128xf32, #tpu.memory_space<vmem>>, vector<128x128xf32>
    %dot_general3A = arith.constant dense<0.000000e+00> : vector<2048x128xf32>
    %dot_general3A_11 = tpu.matmul %div3A_5, %get3A_10, %dot_general3A {dimension_numbers = #tpu.dot_dimension_numbers<[1], [0], [0], [1], [0, 0, 1, 1], [], []>, transpose_lhs_hint = false} : vector<2048x128xf32>, vector<128x128xf32>, vector<2048x128xf32> -> vector<2048x128xf32>
    %get3A_12 = arith.constant 0 : index
    %get3A_13 = arith.constant 0 : index
    %get3A_14 = vector.load %arg4[%get3A_12, %get3A_13] : memref<1x128xf32, #tpu.memory_space<vmem>>, vector<1x128xf32>
    %add3A = vector.broadcast %get3A_14 : vector<1x128xf32> to vector<2048x128xf32>
    %add3A_15 = arith.addf %dot_general3A_11, %add3A : vector<2048x128xf32>
    %get3A_16 = arith.constant 0 : index
    %get3A_17 = arith.constant 0 : index
    %get3A_18 = vector.load %arg7[%get3A_16, %get3A_17] : memref<1x128xf32, #tpu.memory_space<vmem>>, vector<1x128xf32>
    %broadcast_in_dim3A = vector.shape_cast %get3A_18 : vector<1x128xf32> to vector<1x128xf32>
    %broadcast_in_dim3A_19 = vector.broadcast %broadcast_in_dim3A : vector<1x128xf32> to vector<2048x128xf32>
    %concatenate3A = tpu.concatenate %add3A_15, %broadcast_in_dim3A_19 in 1 : vector<2048x128xf32>, vector<2048x128xf32> -> vector<2048x256xf32>
    %swap3A_20 = arith.constant 0 : index
    %swap3A_21 = arith.constant 0 : index
    %swap3A_22 = vector.load %arg10[%swap3A_20, %swap3A_21] : memref<2048x256xf32, #tpu.memory_space<vmem>>, vector<2048x256xf32>
    tpu.vector_store %arg10[%swap3A_20, %swap3A_21], %concatenate3A {strides = array<i32>} : memref<2048x256xf32, #tpu.memory_space<vmem>>, vector<2048x256xf32>,
    %get3A_23 = arith.constant 0 : index
    %get3A_24 = arith.constant 0 : index
    %get3A_25 = vector.load %arg5[%get3A_23, %get3A_24] : memref<128x256xf32, #tpu.memory_space<vmem>>, vector<128x256xf32>
    %dot_general3A_26 = arith.constant dense<0.000000e+00> : vector<2048x256xf32>
    %dot_general3A_27 = tpu.matmul %add3A_15, %get3A_25, %dot_general3A_26 {dimension_numbers = #tpu.dot_dimension_numbers<[1], [0], [0], [1], [0, 0, 1, 1], [], []>, transpose_lhs_hint = false} : vector<2048x128xf32>, vector<128x256xf32>, vector<2048x256xf32> -> vector<2048x256xf32>
    %get3A_28 = arith.constant 0 : index
    %get3A_29 = arith.constant 0 : index
    %get3A_30 = vector.load %arg6[%get3A_28, %get3A_29] : memref<1x256xf32, #tpu.memory_space<vmem>>, vector<1x256xf32>
    %add3A_31 = vector.broadcast %get3A_30 : vector<1x256xf32> to vector<2048x256xf32>
    %add3A_32 = arith.addf %dot_general3A_27, %add3A_31 : vector<2048x256xf32>
    %swap3A_33 = arith.constant 0 : index
    %swap3A_34 = arith.constant 0 : index
    %swap3A_35 = vector.load %arg8[%swap3A_33, %swap3A_34] : memref<2048x256xf32, #tpu.memory_space<vmem>>, vector<2048x256xf32>
    tpu.vector_store %arg8[%swap3A_33, %swap3A_34], %add3A_32 {strides = array<i32>} : memref<2048x256xf32, #tpu.memory_space<vmem>>, vector<2048x256xf32>,
    return
  }
  func.func @transform_0(%arg0: i32) -> (i32, i32) {
    %c0_i32 = arith.constant 0 : i32
    %c0_i32_0 = arith.constant 0 : i32
    return %arg0, %c0_i32 : i32, i32
  }
  func.func @transform_1(%arg0: i32) -> (i32, i32) {
    %c0_i32 = arith.constant 0 : i32
    %c0_i32_0 = arith.constant 0 : i32
    return %arg0, %c0_i32 : i32, i32
  }
  func.func @transform_2(%arg0: i32) -> (i32, i32) {
    %c0_i32 = arith.constant 0 : i32
    %c0_i32_0 = arith.constant 0 : i32
    %c0_i32_1 = arith.constant 0 : i32
    return %c0_i32, %c0_i32_0 : i32, i32
  }
  func.func @transform_3(%arg0: i32) -> (i32, i32) {
    %c0_i32 = arith.constant 0 : i32
    %c0_i32_0 = arith.constant 0 : i32
    %c0_i32_1 = arith.constant 0 : i32
    return %c0_i32, %c0_i32_0 : i32, i32
  }
  func.func @transform_4(%arg0: i32) -> (i32, i32) {
    %c0_i32 = arith.constant 0 : i32
    %c0_i32_0 = arith.constant 0 : i32
    %c0_i32_1 = arith.constant 0 : i32
    return %c0_i32, %c0_i32_0 : i32, i32
  }
  func.func @transform_5(%arg0: i32) -> (i32, i32) {
    %c0_i32 = arith.constant 0 : i32
    %c0_i32_0 = arith.constant 0 : i32
    %c0_i32_1 = arith.constant 0 : i32
    return %c0_i32, %c0_i32_0 : i32, i32
  }
  func.func @transform_6(%arg0: i32) -> (i32, i32) {
    %c0_i32 = arith.constant 0 : i32
    %c0_i32_0 = arith.constant 0 : i32
    %c0_i32_1 = arith.constant 0 : i32
    return %c0_i32, %c0_i32_0 : i32, i32
  }
  func.func @transform_7(%arg0: i32) -> (i32, i32) {
    %c0_i32 = arith.constant 0 : i32
    %c0_i32_0 = arith.constant 0 : i32
    return %arg0, %c0_i32 : i32, i32
  }
  func.func @transform_8(%arg0: i32) -> (i32, i32) {
    %c0_i32 = arith.constant 0 : i32
    %c0_i32_0 = arith.constant 0 : i32
    return %arg0, %c0_i32 : i32, i32
  }
  func.func @transform_9(%arg0: i32) -> (i32, i32) {
    %c0_i32 = arith.constant 0 : i32
    %c0_i32_0 = arith.constant 0 : i32
    return %arg0, %c0_i32 : i32, i32
  }
}

module attributes {stable_mosaic.version = 14 : i64} {
  func.func @_prep_body(%arg0: memref<1x4096xi32, #tpu.memory_space<vmem>>, %arg1: memref<256x128xf32, #tpu.memory_space<vmem>>, %arg2: memref<128x128xf32, #tpu.memory_space<vmem>>, %arg3: memref<1x128xf32, #tpu.memory_space<vmem>>, %arg4: memref<256x64xf32, #tpu.memory_space<vmem>>, %arg5: memref<64x256xf32, #tpu.memory_space<vmem>>, %arg6: memref<1x256xf32, #tpu.memory_space<vmem>>, %arg7: memref<512x64xf32, #tpu.memory_space<vmem>>, %arg8: memref<64x128xf32, #tpu.memory_space<vmem>>, %arg9: memref<1x128xf32, #tpu.memory_space<vmem>>, %arg10: memref<128x128xf32, #tpu.memory_space<vmem>>, %arg11: memref<1x128xf32, #tpu.memory_space<vmem>>, %arg12: memref<256x256xf32, #tpu.memory_space<vmem>>, %arg13: memref<1x256xf32, #tpu.memory_space<vmem>>, %arg14: memref<1x4096xi32, #tpu.memory_space<vmem>>, %arg15: memref<256x128xf32, #tpu.memory_space<vmem>>, %arg16: memref<512x128xf32, #tpu.memory_space<vmem>>, %arg17: memref<1x128xf32, #tpu.memory_space<vmem>>, %arg18: memref<1x256xf32, #tpu.memory_space<vmem>>) attributes {dimension_semantics = [], scalar_prefetch = 0 : i64, scratch_operands = 0 : i64, tpu.core_type = #tpu.core_type<tc>} {
    %get3A = arith.constant 0 : index
    %get3A_0 = arith.constant 0 : index
    %get3A_1 = vector.load %arg1[%get3A, %get3A_0] : memref<256x128xf32, #tpu.memory_space<vmem>>, vector<256x128xf32>
    %get3A_2 = arith.constant 0 : index
    %get3A_3 = arith.constant 0 : index
    %get3A_4 = vector.load %arg2[%get3A_2, %get3A_3] : memref<128x128xf32, #tpu.memory_space<vmem>>, vector<128x128xf32>
    %dot_general3A = arith.constant dense<0.000000e+00> : vector<256x128xf32>
    %dot_general3A_5 = tpu.matmul %get3A_1, %get3A_4, %dot_general3A {dimension_numbers = #tpu.dot_dimension_numbers<[1], [0], [0], [1], [0, 0, 1, 1], [], []>, transpose_lhs_hint = false} : vector<256x128xf32>, vector<128x128xf32>, vector<256x128xf32> -> vector<256x128xf32>
    %get3A_6 = arith.constant 0 : index
    %get3A_7 = arith.constant 0 : index
    %get3A_8 = vector.load %arg3[%get3A_6, %get3A_7] : memref<1x128xf32, #tpu.memory_space<vmem>>, vector<1x128xf32>
    %add3A = vector.broadcast %get3A_8 : vector<1x128xf32> to vector<256x128xf32>
    %add3A_9 = arith.addf %dot_general3A_5, %add3A : vector<256x128xf32>
    %integer_pow3A = arith.mulf %add3A_9, %add3A_9 : vector<256x128xf32>
    %integer_pow3A_10 = arith.mulf %add3A_9, %integer_pow3A : vector<256x128xf32>
    %mul3A = arith.constant 4.471500e-02 : f32
    %mul3A_11 = vector.broadcast %mul3A : f32 to vector<256x128xf32>
    %mul3A_12 = arith.mulf %mul3A_11, %integer_pow3A_10 : vector<256x128xf32>
    %add3A_13 = arith.addf %add3A_9, %mul3A_12 : vector<256x128xf32>
    %mul3A_14 = arith.constant 0.797884583 : f32
    %mul3A_15 = vector.broadcast %mul3A_14 : f32 to vector<256x128xf32>
    %mul3A_16 = arith.mulf %mul3A_15, %add3A_13 : vector<256x128xf32>
    %tanh3A = math.tanh %mul3A_16 : vector<256x128xf32>
    %add3A_17 = arith.constant 1.000000e+00 : f32
    %add3A_18 = vector.broadcast %add3A_17 : f32 to vector<256x128xf32>
    %add3A_19 = arith.addf %add3A_18, %tanh3A : vector<256x128xf32>
    %mul3A_20 = arith.constant 5.000000e-01 : f32
    %mul3A_21 = vector.broadcast %mul3A_20 : f32 to vector<256x128xf32>
    %mul3A_22 = arith.mulf %mul3A_21, %add3A_19 : vector<256x128xf32>
    %mul3A_23 = arith.mulf %add3A_9, %mul3A_22 : vector<256x128xf32>
    %swap3A = arith.constant 0 : index
    %swap3A_24 = arith.constant 0 : index
    %swap3A_25 = vector.load %arg15[%swap3A, %swap3A_24] : memref<256x128xf32, #tpu.memory_space<vmem>>, vector<256x128xf32>
    tpu.vector_store %arg15[%swap3A, %swap3A_24], %mul3A_23 {strides = array<i32>} : memref<256x128xf32, #tpu.memory_space<vmem>>, vector<256x128xf32>,
    %get3A_26 = arith.constant 0 : index
    %get3A_27 = arith.constant 0 : index
    %get3A_28 = vector.load %arg4[%get3A_26, %get3A_27] : memref<256x64xf32, #tpu.memory_space<vmem>>, vector<256x64xf32>
    %get3A_29 = arith.constant 0 : index
    %get3A_30 = arith.constant 0 : index
    %get3A_31 = vector.load %arg5[%get3A_29, %get3A_30] : memref<64x256xf32, #tpu.memory_space<vmem>>, vector<64x256xf32>
    %dot_general3A_32 = arith.constant dense<0.000000e+00> : vector<256x256xf32>
    %dot_general3A_33 = tpu.matmul %get3A_28, %get3A_31, %dot_general3A_32 {dimension_numbers = #tpu.dot_dimension_numbers<[1], [0], [0], [1], [0, 0, 1, 1], [], []>, transpose_lhs_hint = false} : vector<256x64xf32>, vector<64x256xf32>, vector<256x256xf32> -> vector<256x256xf32>
    %get3A_34 = arith.constant 0 : index
    %get3A_35 = arith.constant 0 : index
    %get3A_36 = vector.load %arg6[%get3A_34, %get3A_35] : memref<1x256xf32, #tpu.memory_space<vmem>>, vector<1x256xf32>
    %add3A_37 = vector.broadcast %get3A_36 : vector<1x256xf32> to vector<256x256xf32>
    %add3A_38 = arith.addf %dot_general3A_33, %add3A_37 : vector<256x256xf32>
    %reduce_max3A = arith.constant dense<0xFF800000> : vector<256xf32>
    %reduce_max3A_39 = vector.multi_reduction <maximumf>, %add3A_38, %reduce_max3A [1] : vector<256x256xf32> to vector<256xf32>
    %broadcast_in_dim3A = vector.shape_cast %reduce_max3A_39 : vector<256xf32> to vector<256x1xf32>
    %sub3A = vector.broadcast %broadcast_in_dim3A : vector<256x1xf32> to vector<256x256xf32>
    %sub3A_40 = arith.subf %add3A_38, %sub3A : vector<256x256xf32>
    %exp3A = math.exp %sub3A_40 : vector<256x256xf32>
    %reduce_sum3A = arith.constant dense<0.000000e+00> : vector<256xf32>
    %reduce_sum3A_41 = vector.multi_reduction <add>, %exp3A, %reduce_sum3A [1] : vector<256x256xf32> to vector<256xf32>
    %broadcast_in_dim3A_42 = vector.shape_cast %reduce_sum3A_41 : vector<256xf32> to vector<256x1xf32>
    %log3A = math.log %broadcast_in_dim3A_42 : vector<256x1xf32>
    %sub3A_43 = vector.broadcast %log3A : vector<256x1xf32> to vector<256x256xf32>
    %sub3A_44 = arith.subf %sub3A_40, %sub3A_43 : vector<256x256xf32>
    %exp3A_45 = math.exp %sub3A_44 : vector<256x256xf32>
    %mul3A_46 = arith.mulf %exp3A_45, %sub3A_44 : vector<256x256xf32>
    %reduce_sum3A_47 = arith.constant dense<0.000000e+00> : vector<256xf32>
    %reduce_sum3A_48 = vector.multi_reduction <add>, %mul3A_46, %reduce_sum3A_47 [1] : vector<256x256xf32> to vector<256xf32>
    %broadcast_in_dim3A_49 = vector.shape_cast %reduce_sum3A_48 : vector<256xf32> to vector<256x1xf32>
    %neg3A = arith.constant 0.000000e+00 : f32
    %neg3A_50 = vector.broadcast %neg3A : f32 to vector<256x1xf32>
    %neg3A_51 = arith.subf %neg3A_50, %broadcast_in_dim3A_49 : vector<256x1xf32>
    %get3A_52 = arith.constant 0 : index
    %get3A_53 = arith.constant 0 : index
    %get3A_54 = vector.load %arg0[%get3A_52, %get3A_53] : memref<1x4096xi32, #tpu.memory_space<vmem>>, vector<1x4096xi32>
    %iota3A = tpu.iota {dimensions = array<i32: 0>} : vector<256x4096xi32>
    %eq3A = vector.broadcast %get3A_54 : vector<1x4096xi32> to vector<256x4096xi32>
    %eq3A_55 = arith.cmpi eq, %iota3A, %eq3A : vector<256x4096xi32>
    %jit3A = arith.constant 0.000000e+00 : f32
    %broadcast_in_dim3A_56 = vector.shape_cast %neg3A_51 : vector<256x1xf32> to vector<256x1xf32>
    %broadcast_in_dim3A_57 = vector.broadcast %broadcast_in_dim3A_56 : vector<256x1xf32> to vector<256x4096xf32>
    %broadcast_in_dim3A_58 = vector.broadcast %jit3A : f32 to vector<256x4096xf32>
    %select_n3A = arith.select %eq3A_55, %broadcast_in_dim3A_57, %broadcast_in_dim3A_58 : vector<256x4096xi1>, vector<256x4096xf32>
    %reduce_sum3A_59 = arith.constant dense<0.000000e+00> : vector<4096xf32>
    %reduce_sum3A_60 = vector.multi_reduction <add>, %select_n3A, %reduce_sum3A_59 [0] : vector<256x4096xf32> to vector<4096xf32>
    %broadcast_in_dim3A_61 = vector.shape_cast %reduce_sum3A_60 : vector<4096xf32> to vector<1x4096xf32>
    %iota3A_62 = tpu.iota {dimensions = array<i32: 1>} : vector<1x4096xi32>
    %gt3A = arith.constant 5.000000e-01 : f32
    %gt3A_63 = vector.broadcast %gt3A : f32 to vector<1x4096xf32>
    %gt3A_64 = arith.cmpf ogt, %broadcast_in_dim3A_61, %gt3A_63 : vector<1x4096xf32>
    %gt3A_65 = arith.constant 0 : i32
    %gt3A_66 = vector.broadcast %gt3A_65 : i32 to vector<1x4096xi32>
    %gt3A_67 = arith.cmpi sgt, %iota3A_62, %gt3A_66 : vector<1x4096xi32>
    %and3A = arith.andi %gt3A_64, %gt3A_67 : vector<1x4096xi1>
    %convert_element_type3A = arith.extui %and3A : vector<1x4096xi1> to vector<1x4096xi32>
    %broadcast_in_dim3A_68 = arith.constant 0 : i32
    %broadcast_in_dim3A_69 = vector.broadcast %broadcast_in_dim3A_68 : i32 to vector<1x1xi32>
    %slice3A = vector.extract_strided_slice %convert_element_type3A {offsets = [0, 0], sizes = [1, 4095], strides = [1, 1]} : vector<1x4096xi32> to vector<1x4095xi32>
    %concatenate3A = tpu.concatenate %broadcast_in_dim3A_69, %slice3A in 1 : vector<1x1xi32>, vector<1x4095xi32> -> vector<1x4096xi32>
    %add3A_70 = arith.addi %convert_element_type3A, %concatenate3A : vector<1x4096xi32>
    %broadcast_in_dim3A_71 = arith.constant 0 : i32
    %broadcast_in_dim3A_72 = vector.broadcast %broadcast_in_dim3A_71 : i32 to vector<1x2xi32>
    %slice3A_73 = vector.extract_strided_slice %add3A_70 {offsets = [0, 0], sizes = [1, 4094], strides = [1, 1]} : vector<1x4096xi32> to vector<1x4094xi32>
    %concatenate3A_74 = tpu.concatenate %broadcast_in_dim3A_72, %slice3A_73 in 1 : vector<1x2xi32>, vector<1x4094xi32> -> vector<1x4096xi32>
    %add3A_75 = arith.addi %add3A_70, %concatenate3A_74 : vector<1x4096xi32>
    %broadcast_in_dim3A_76 = arith.constant 0 : i32
    %broadcast_in_dim3A_77 = vector.broadcast %broadcast_in_dim3A_76 : i32 to vector<1x4xi32>
    %slice3A_78 = vector.extract_strided_slice %add3A_75 {offsets = [0, 0], sizes = [1, 4092], strides = [1, 1]} : vector<1x4096xi32> to vector<1x4092xi32>
    %concatenate3A_79 = tpu.concatenate %broadcast_in_dim3A_77, %slice3A_78 in 1 : vector<1x4xi32>, vector<1x4092xi32> -> vector<1x4096xi32>
    %add3A_80 = arith.addi %add3A_75, %concatenate3A_79 : vector<1x4096xi32>
    %broadcast_in_dim3A_81 = arith.constant 0 : i32
    %broadcast_in_dim3A_82 = vector.broadcast %broadcast_in_dim3A_81 : i32 to vector<1x8xi32>
    %slice3A_83 = vector.extract_strided_slice %add3A_80 {offsets = [0, 0], sizes = [1, 4088], strides = [1, 1]} : vector<1x4096xi32> to vector<1x4088xi32>
    %concatenate3A_84 = tpu.concatenate %broadcast_in_dim3A_82, %slice3A_83 in 1 : vector<1x8xi32>, vector<1x4088xi32> -> vector<1x4096xi32>
    %add3A_85 = arith.addi %add3A_80, %concatenate3A_84 : vector<1x4096xi32>
    %broadcast_in_dim3A_86 = arith.constant 0 : i32
    %broadcast_in_dim3A_87 = vector.broadcast %broadcast_in_dim3A_86 : i32 to vector<1x16xi32>
    %slice3A_88 = vector.extract_strided_slice %add3A_85 {offsets = [0, 0], sizes = [1, 4080], strides = [1, 1]} : vector<1x4096xi32> to vector<1x4080xi32>
    %concatenate3A_89 = tpu.concatenate %broadcast_in_dim3A_87, %slice3A_88 in 1 : vector<1x16xi32>, vector<1x4080xi32> -> vector<1x4096xi32>
    %add3A_90 = arith.addi %add3A_85, %concatenate3A_89 : vector<1x4096xi32>
    %broadcast_in_dim3A_91 = arith.constant 0 : i32
    %broadcast_in_dim3A_92 = vector.broadcast %broadcast_in_dim3A_91 : i32 to vector<1x32xi32>
    %slice3A_93 = vector.extract_strided_slice %add3A_90 {offsets = [0, 0], sizes = [1, 4064], strides = [1, 1]} : vector<1x4096xi32> to vector<1x4064xi32>
    %concatenate3A_94 = tpu.concatenate %broadcast_in_dim3A_92, %slice3A_93 in 1 : vector<1x32xi32>, vector<1x4064xi32> -> vector<1x4096xi32>
    %add3A_95 = arith.addi %add3A_90, %concatenate3A_94 : vector<1x4096xi32>
    %broadcast_in_dim3A_96 = arith.constant 0 : i32
    %broadcast_in_dim3A_97 = vector.broadcast %broadcast_in_dim3A_96 : i32 to vector<1x64xi32>
    %slice3A_98 = vector.extract_strided_slice %add3A_95 {offsets = [0, 0], sizes = [1, 4032], strides = [1, 1]} : vector<1x4096xi32> to vector<1x4032xi32>
    %concatenate3A_99 = tpu.concatenate %broadcast_in_dim3A_97, %slice3A_98 in 1 : vector<1x64xi32>, vector<1x4032xi32> -> vector<1x4096xi32>
    %add3A_100 = arith.addi %add3A_95, %concatenate3A_99 : vector<1x4096xi32>
    %broadcast_in_dim3A_101 = arith.constant 0 : i32
    %broadcast_in_dim3A_102 = vector.broadcast %broadcast_in_dim3A_101 : i32 to vector<1x128xi32>
    %slice3A_103 = vector.extract_strided_slice %add3A_100 {offsets = [0, 0], sizes = [1, 3968], strides = [1, 1]} : vector<1x4096xi32> to vector<1x3968xi32>
    %concatenate3A_104 = tpu.concatenate %broadcast_in_dim3A_102, %slice3A_103 in 1 : vector<1x128xi32>, vector<1x3968xi32> -> vector<1x4096xi32>
    %add3A_105 = arith.addi %add3A_100, %concatenate3A_104 : vector<1x4096xi32>
    %broadcast_in_dim3A_106 = arith.constant 0 : i32
    %broadcast_in_dim3A_107 = vector.broadcast %broadcast_in_dim3A_106 : i32 to vector<1x256xi32>
    %slice3A_108 = vector.extract_strided_slice %add3A_105 {offsets = [0, 0], sizes = [1, 3840], strides = [1, 1]} : vector<1x4096xi32> to vector<1x3840xi32>
    %concatenate3A_109 = tpu.concatenate %broadcast_in_dim3A_107, %slice3A_108 in 1 : vector<1x256xi32>, vector<1x3840xi32> -> vector<1x4096xi32>
    %add3A_110 = arith.addi %add3A_105, %concatenate3A_109 : vector<1x4096xi32>
    %broadcast_in_dim3A_111 = arith.constant 0 : i32
    %broadcast_in_dim3A_112 = vector.broadcast %broadcast_in_dim3A_111 : i32 to vector<1x512xi32>
    %slice3A_113 = vector.extract_strided_slice %add3A_110 {offsets = [0, 0], sizes = [1, 3584], strides = [1, 1]} : vector<1x4096xi32> to vector<1x3584xi32>
    %concatenate3A_114 = tpu.concatenate %broadcast_in_dim3A_112, %slice3A_113 in 1 : vector<1x512xi32>, vector<1x3584xi32> -> vector<1x4096xi32>
    %add3A_115 = arith.addi %add3A_110, %concatenate3A_114 : vector<1x4096xi32>
    %broadcast_in_dim3A_116 = arith.constant 0 : i32
    %broadcast_in_dim3A_117 = vector.broadcast %broadcast_in_dim3A_116 : i32 to vector<1x1024xi32>
    %slice3A_118 = vector.extract_strided_slice %add3A_115 {offsets = [0, 0], sizes = [1, 3072], strides = [1, 1]} : vector<1x4096xi32> to vector<1x3072xi32>
    %concatenate3A_119 = tpu.concatenate %broadcast_in_dim3A_117, %slice3A_118 in 1 : vector<1x1024xi32>, vector<1x3072xi32> -> vector<1x4096xi32>
    %add3A_120 = arith.addi %add3A_115, %concatenate3A_119 : vector<1x4096xi32>
    %broadcast_in_dim3A_121 = arith.constant 0 : i32
    %broadcast_in_dim3A_122 = vector.broadcast %broadcast_in_dim3A_121 : i32 to vector<1x2048xi32>
    %slice3A_123 = vector.extract_strided_slice %add3A_120 {offsets = [0, 0], sizes = [1, 2048], strides = [1, 1]} : vector<1x4096xi32> to vector<1x2048xi32>
    %concatenate3A_124 = tpu.concatenate %broadcast_in_dim3A_122, %slice3A_123 in 1 : vector<1x2048xi32>, vector<1x2048xi32> -> vector<1x4096xi32>
    %add3A_125 = arith.addi %add3A_120, %concatenate3A_124 : vector<1x4096xi32>
    %swap3A_126 = arith.constant 0 : index
    %swap3A_127 = arith.constant 0 : index
    %swap3A_128 = vector.load %arg14[%swap3A_126, %swap3A_127] : memref<1x4096xi32, #tpu.memory_space<vmem>>, vector<1x4096xi32>
    tpu.vector_store %arg14[%swap3A_126, %swap3A_127], %add3A_125 {strides = array<i32>} : memref<1x4096xi32, #tpu.memory_space<vmem>>, vector<1x4096xi32>,
    %get3A_129 = arith.constant 0 : index
    %get3A_130 = arith.constant 0 : index
    %get3A_131 = vector.load %arg7[%get3A_129, %get3A_130] : memref<512x64xf32, #tpu.memory_space<vmem>>, vector<512x64xf32>
    %get3A_132 = arith.constant 0 : index
    %get3A_133 = arith.constant 0 : index
    %get3A_134 = vector.load %arg8[%get3A_132, %get3A_133] : memref<64x128xf32, #tpu.memory_space<vmem>>, vector<64x128xf32>
    %dot_general3A_135 = arith.constant dense<0.000000e+00> : vector<512x128xf32>
    %dot_general3A_136 = tpu.matmul %get3A_131, %get3A_134, %dot_general3A_135 {dimension_numbers = #tpu.dot_dimension_numbers<[1], [0], [0], [1], [0, 0, 1, 1], [], []>, transpose_lhs_hint = false} : vector<512x64xf32>, vector<64x128xf32>, vector<512x128xf32> -> vector<512x128xf32>
    %get3A_137 = arith.constant 0 : index
    %get3A_138 = arith.constant 0 : index
    %get3A_139 = vector.load %arg9[%get3A_137, %get3A_138] : memref<1x128xf32, #tpu.memory_space<vmem>>, vector<1x128xf32>
    %add3A_140 = vector.broadcast %get3A_139 : vector<1x128xf32> to vector<512x128xf32>
    %add3A_141 = arith.addf %dot_general3A_136, %add3A_140 : vector<512x128xf32>
    %integer_pow3A_142 = arith.mulf %add3A_141, %add3A_141 : vector<512x128xf32>
    %integer_pow3A_143 = arith.mulf %add3A_141, %integer_pow3A_142 : vector<512x128xf32>
    %mul3A_144 = arith.constant 4.471500e-02 : f32
    %mul3A_145 = vector.broadcast %mul3A_144 : f32 to vector<512x128xf32>
    %mul3A_146 = arith.mulf %mul3A_145, %integer_pow3A_143 : vector<512x128xf32>
    %add3A_147 = arith.addf %add3A_141, %mul3A_146 : vector<512x128xf32>
    %mul3A_148 = arith.constant 0.797884583 : f32
    %mul3A_149 = vector.broadcast %mul3A_148 : f32 to vector<512x128xf32>
    %mul3A_150 = arith.mulf %mul3A_149, %add3A_147 : vector<512x128xf32>
    %tanh3A_151 = math.tanh %mul3A_150 : vector<512x128xf32>
    %add3A_152 = arith.constant 1.000000e+00 : f32
    %add3A_153 = vector.broadcast %add3A_152 : f32 to vector<512x128xf32>
    %add3A_154 = arith.addf %add3A_153, %tanh3A_151 : vector<512x128xf32>
    %mul3A_155 = arith.constant 5.000000e-01 : f32
    %mul3A_156 = vector.broadcast %mul3A_155 : f32 to vector<512x128xf32>
    %mul3A_157 = arith.mulf %mul3A_156, %add3A_154 : vector<512x128xf32>
    %mul3A_158 = arith.mulf %add3A_141, %mul3A_157 : vector<512x128xf32>
    %swap3A_159 = arith.constant 0 : index
    %swap3A_160 = arith.constant 0 : index
    %swap3A_161 = vector.load %arg16[%swap3A_159, %swap3A_160] : memref<512x128xf32, #tpu.memory_space<vmem>>, vector<512x128xf32>
    tpu.vector_store %arg16[%swap3A_159, %swap3A_160], %mul3A_158 {strides = array<i32>} : memref<512x128xf32, #tpu.memory_space<vmem>>, vector<512x128xf32>,
    %get3A_162 = arith.constant 0 : index
    %get3A_163 = arith.constant 0 : index
    %get3A_164 = vector.load %arg10[%get3A_162, %get3A_163] : memref<128x128xf32, #tpu.memory_space<vmem>>, vector<128x128xf32>
    %dot_general3A_165 = arith.constant dense<0.000000e+00> : vector<512x128xf32>
    %dot_general3A_166 = tpu.matmul %mul3A_158, %get3A_164, %dot_general3A_165 {dimension_numbers = #tpu.dot_dimension_numbers<[1], [0], [0], [1], [0, 0, 1, 1], [], []>, transpose_lhs_hint = false} : vector<512x128xf32>, vector<128x128xf32>, vector<512x128xf32> -> vector<512x128xf32>
    %get3A_167 = arith.constant 0 : index
    %get3A_168 = arith.constant 0 : index
    %get3A_169 = vector.load %arg11[%get3A_167, %get3A_168] : memref<1x128xf32, #tpu.memory_space<vmem>>, vector<1x128xf32>
    %add3A_170 = vector.broadcast %get3A_169 : vector<1x128xf32> to vector<512x128xf32>
    %add3A_171 = arith.addf %dot_general3A_166, %add3A_170 : vector<512x128xf32>
    %reduce_sum3A_172 = arith.constant dense<0.000000e+00> : vector<128xf32>
    %reduce_sum3A_173 = vector.multi_reduction <add>, %add3A_171, %reduce_sum3A_172 [0] : vector<512x128xf32> to vector<128xf32>
    %broadcast_in_dim3A_174 = vector.shape_cast %reduce_sum3A_173 : vector<128xf32> to vector<1x128xf32>
    %div3A = arith.constant 5.120000e+02 : f32
    %div3A_175 = vector.broadcast %div3A : f32 to vector<1x128xf32>
    %div3A_176 = arith.divf %broadcast_in_dim3A_174, %div3A_175 : vector<1x128xf32>
    %swap3A_177 = arith.constant 0 : index
    %swap3A_178 = arith.constant 0 : index
    %swap3A_179 = vector.load %arg17[%swap3A_177, %swap3A_178] : memref<1x128xf32, #tpu.memory_space<vmem>>, vector<1x128xf32>
    tpu.vector_store %arg17[%swap3A_177, %swap3A_178], %div3A_176 {strides = array<i32>} : memref<1x128xf32, #tpu.memory_space<vmem>>, vector<1x128xf32>,
    %get3A_180 = arith.constant 128 : index
    %get3A_181 = arith.constant 0 : index
    %get3A_182 = vector.load %arg12[%get3A_180, %get3A_181] : memref<256x256xf32, #tpu.memory_space<vmem>>, vector<128x256xf32>
    %dot_general3A_183 = arith.constant dense<0.000000e+00> : vector<1x256xf32>
    %dot_general3A_184 = tpu.matmul %div3A_176, %get3A_182, %dot_general3A_183 {dimension_numbers = #tpu.dot_dimension_numbers<[1], [0], [0], [1], [0, 0, 1, 1], [], []>, transpose_lhs_hint = false} : vector<1x128xf32>, vector<128x256xf32>, vector<1x256xf32> -> vector<1x256xf32>
    %get3A_185 = arith.constant 0 : index
    %get3A_186 = arith.constant 0 : index
    %get3A_187 = vector.load %arg13[%get3A_185, %get3A_186] : memref<1x256xf32, #tpu.memory_space<vmem>>, vector<1x256xf32>
    %add3A_188 = arith.addf %dot_general3A_184, %get3A_187 : vector<1x256xf32>
    %swap3A_189 = arith.constant 0 : index
    %swap3A_190 = arith.constant 0 : index
    %swap3A_191 = vector.load %arg18[%swap3A_189, %swap3A_190] : memref<1x256xf32, #tpu.memory_space<vmem>>, vector<1x256xf32>
    tpu.vector_store %arg18[%swap3A_189, %swap3A_190], %add3A_188 {strides = array<i32>} : memref<1x256xf32, #tpu.memory_space<vmem>>, vector<1x256xf32>,
    return
  }
}

</mosaic_0001>

<sc_bundles>
// kernel: kernel.5.cloned.1.call-start
scs
__scs_entry_jumppad:
0x0: {  	(pc) =	sbr.rel $0x88, $3  }
0x1: {  	(tag) =	ssettag $0x0;
	lr =	simm.s32 $0x1  }
0x2: {  	[smem:$0x3F91] =	sst lr;
	_ =	strace $0xD0000000  }
0x3: {  	_ = 	snop  }
0x4: {  	_ = 	snop  }
0x5: {  	_ = 	snop  }
0x6: {  	_ = 	snop  }
0x7: {  	_ = 	snop  }
__scs_overlays_trampoline_lowered:
0x8: {  	[smem:$0x3FA0] =	sst s0  }
0x9: {  	[smem:$0x3FA1] =	sst s1  }
0xa: {  	[smem:$0x3FA2] =	sst s2  }
0xb: {  	[smem:$0x3FA3] =	sst s3  }
0xc: {  	[smem:$0x3FA4] =	sst s4  }
0xd: {  	[smem:$0x3FA5] =	sst s5  }
0xe: {  	[smem:$0x3FA6] =	sst s6  }
0xf: {  	[smem:$0x3FA7] =	sst s7  }
0x10: {  	[smem:$0x3FA8] =	sst s8  }
0x11: {  	[smem:$0x3FA9] =	sst s9;
	s0 =	simm.s32 @!p0 $0x0  }
0x12: {  	s1 =	sld [smem:$0x3F8F];
	s0 =	simm.s32 @p0 $0x1  }
0x13: {  	[smem:$0x3FAA] =	sst s0;
	s0 =	simm.s32 @!p1 $0x0  }
0x14: {  	s2 =	sld [smem:$0x3F8E];
	s0 =	simm.s32 @p1 $0x1  }
0x15: {  	[smem:$0x3FAB] =	sst s0;
	s0 =	simm.s32 @!p2 $0x0  }
0x16: {  	s3 =	sld [smem:$0x3FDB];
	s0 =	simm.s32 @p2 $0x1  }
0x17: {  	s4 =	simm.s32 $0x1BF5;
	[smem:$0x3FAD] =	sst s0  }
0x18: {  	s0 =	sld [smem:$0x3F90];
	_ =	swait.ge [sflag:s4], $0x0  }
0x19: {  	s7 =	sld [smem:$0x3F91]  }
0x1a: {  	s8 =	sadd.s32 $0xFFFFE003, lr  }
0x1b: {  	s9 =	sadd.s32 $0xFFFFFEF7, lr;
	s5 =	simm.s32 $0xFFFFFFFF;
	p2 =	slt.u32 s8, $0xFFFFF086  }
0x1c: {  	p1 =	slt.u32 s9, $0xF7A;
	s5 =	simm.s32 @!p2 $0x0  }
0x1d: {  	s5 =	simm.s32 @p1 $0x1;
	p0 =	seq.s32 s7, s2  }
0x1e: {  	s7 =	smul.u32 @!p0 $0xF7A, s2;
	p2 =	seq.s32 @!p0 s5, $0x0  }
0x1f: {  	s9 =	smul.u32 $0xF7A, s1;
	s8 =	simm.s32 @!p0 $0x1BF5;
	p2 =	por !p2, p0  }
0x20: {  	[sflag:s8] =	ssyncset.s32 @!p0 $0xFFFFF086;
	s6 =	sadd.s32 @!p0 s3, s7;
	s7 =	simm.s32 @!p0 $0x108  }
0x21: {  	s3 =	sadd.s32 s3, s9;
	s6 =	sadd.s32 @!p0 $0x88, s6;
	s7 =	simm.s32 @p2 $0x1082  }
0x22: {  	[simem:s7], [sflag:s8] =	dma.local @!p0 [hbm:s6], $0xF7A  }
0x23: {  	s9 =	sor.u32 $0xD0000000, s2;
	s6 =	simm.s32 $0x108;
	_ =	swait.ge @!p0 [sflag:s8], $0x0  }
0x24: {  	s3 =	sadd.s32 $0x88, s3;
	s6 =	simm.s32 @!p1 $0x1082;
	[sflag:s4] =	ssyncset.s32 $0xFFFFF086  }
0x25: {  	[simem:s6], [sflag:s4] =	dma.local [hbm:s3], $0xF7A  }
0x26: {  	[smem:$0x3F91] =	sst s1;
	(tag) =	ssettag s2;
	_ =	strace s9  }
0x27: {  	s1 =	sld [smem:$0x3FA1]  }
0x28: {  	s2 =	sld [smem:$0x3FA2]  }
0x29: {  	s4 =	sld [smem:$0x3FA4]  }
0x2a: {  	p0 =	seq.s32 s5, $0x0;
	s5 =	sld [smem:$0x3FA5]  }
0x2b: {  	s6 =	sld [smem:$0x3FA6]  }
0x2c: {  	s7 =	sld [smem:$0x3FA7]  }
0x2d: {  	s3 =	simm.s32 $0x108;
	s8 =	sld [smem:$0x3FA8]  }
0x2e: {  	s3 =	simm.s32 @!p0 $0x1082;
	s9 =	sld [smem:$0x3FA9]  }
0x2f: {  	lr =	sadd.s32 s0, s3;
	s0 =	sld [smem:$0x3FA0]  }
0x30: {  	s3 =	sld [smem:$0x3FA3]  }
0x31: {  	[smem:$0x3FAC] =	sst s10  }
0x32: {  	s10 =	sld [smem:$0x3FAA];
	_ =	sdelay $0x3  }
0x33: {  	p0 =	seq.s32 s10, $0x1;
	s10 =	sld [smem:$0x3FAC];
	_ =	sdelay $0x3  }
0x34: {  	[smem:$0x3FAC] =	sst s10  }
0x35: {  	s10 =	sld [smem:$0x3FAB];
	_ =	sdelay $0x3  }
0x36: {  	p1 =	seq.s32 s10, $0x1;
	s10 =	sld [smem:$0x3FAC];
	_ =	sdelay $0x3  }
0x37: {  	[smem:$0x3FAC] =	sst s10  }
0x38: {  	s10 =	sld [smem:$0x3FAD]  }
0x39: {  	_ = 	snop;
	(pc) =	sbr.ind lr, $3  }
0x3a: {  	_ = 	snop  }
0x3b: {  	_ = 	snop  }
0x3c: {  	p2 =	seq.s32 s10, $0x1;
	s10 =	sld [smem:$0x3FAC]  }
0x3d: {  	_ =	shalt  }
0x3e: {  	_ =	shalt  }
0x3f: {  	_ =	shalt  }
0x40: {  	_ =	shalt  }
0x41: {  	_ =	shalt  }
0x42: {  	_ =	shalt  }
0x43: {  	_ =	shalt  }
0x44: {  	_ =	shalt  }
0x45: {  	_ =	shalt  }
0x46: {  	_ =	shalt  }
0x47: {  	_ =	shalt  }
0x48: {  	_ =	shalt  }
0x49: {  	_ =	shalt  }
0x4a: {  	_ =	shalt  }
0x4b: {  	_ =	shalt  }
0x4c: {  	_ =	shalt  }
0x4d: {  	_ =	shalt  }
0x4e: {  	_ =	shalt  }
0x4f: {  	_ =	shalt  }
0x50: {  	_ =	shalt  }
0x51: {  	_ =	shalt  }
0x52: {  	_ =	shalt  }
0x53: {  	_ =	shalt  }
0x54: {  	_ =	shalt  }
0x55: {  	_ =	shalt  }
0x56: {  	_ =	shalt  }
0x57: {  	_ =	shalt  }
0x58: {  	_ =	shalt  }
0x59: {  	_ =	shalt  }
0x5a: {  	_ =	shalt  }
0x5b: {  	_ =	shalt  }
0x5c: {  	_ =	shalt  }
0x5d: {  	_ =	shalt  }
0x5e: {  	_ =	shalt  }
0x5f: {  	_ =	shalt  }
0x60: {  	_ =	shalt  }
0x61: {  	_ =	shalt  }
0x62: {  	_ =	shalt  }
0x63: {  	_ =	shalt  }
0x64: {  	_ =	shalt  }
0x65: {  	_ =	shalt  }
0x66: {  	_ =	shalt  }
0x67: {  	_ =	shalt  }
0x68: {  	_ =	shalt  }
0x69: {  	_ =	shalt  }
0x6a: {  	_ =	shalt  }
0x6b: {  	_ =	shalt  }
0x6c: {  	_ =	shalt  }
0x6d: {  	_ =	shalt  }
0x6e: {  	_ =	shalt  }
0x6f: {  	_ =	shalt  }
0x70: {  	_ =	shalt  }
0x71: {  	_ =	shalt  }
0x72: {  	_ =	shalt  }
0x73: {  	_ =	shalt  }
0x74: {  	_ =	shalt  }
0x75: {  	_ =	shalt  }
0x76: {  	_ =	shalt  }
0x77: {  	_ =	shalt  }
0x78: {  	_ =	shalt  }
0x79: {  	_ =	shalt  }
0x7a: {  	_ =	shalt  }
0x7b: {  	_ =	shalt  }
0x7c: {  	_ =	shalt  }
0x7d: {  	_ =	shalt  }
0x7e: {  	_ =	shalt  }
0x7f: {  	_ =	shalt  }
0x80: {  	_ =	shalt  }
0x81: {  	_ =	shalt  }
0x82: {  	_ =	shalt  }
0x83: {  	_ =	shalt  }
0x84: {  	_ =	shalt  }
0x85: {  	_ =	shalt  }
0x86: {  	_ =	shalt  }
0x87: {  	_ =	shalt  }
.Lfunc_end0:
.L_simem_size_0:
called_computation_lowered:
.L_overlay_start_0:
0x88: {  	s2 =	sld [smem:$0x3FD9]  }
0x89: {  	s3 =	sld [smem:$0x3FFE];
	_ =	sdelay $0x1  }
0x8a: {  	s1 =	srdreg.scid  }
0x8b: {  	s0 =	sand.u32 $0x1, s1  }
0x8c: {  	s14 =	sshll.u32 s0, $0xA;
	s2 =	sadd.s32 s3, s2  }
0x8d: {  	s2 =	sadd.s32 s2, s14  }
0x8e: {  	[smem:$0x3FB8] =	sst s2  }
0x8f: {  	_ = 	snop  }
0x90: {  	s2 =	sld [smem:$0x3FD0];
	_ =	sdelay $0x2  }
0x91: {  	s4 =	simm.s32 $0xA;
	s5 =	simm.s32 $0x10;
	s15 =	sld [smem:$0x3FC9]  }
0x92: {  	[smem:s5], [sflag:s4] =	dma.local [hbm:s2], $0x1  }
0x93: {  	_ =	swait.eq [sflag:s4], $0x1  }
0x94: {  	s16 =	sld [smem:$0x10];
	[sflag:s4] =	ssyncset.done $0x0  }
0x95: {  	s17 =	sld [smem:$0x11];
	[sflag:s4] =	ssyncadd.s32 $0xFFFFFFFF  }
0x96: {  	s18 =	sld [smem:$0x13];
	(tm) =	ssettm $0x1  }
0x97: {  	s6 =	sld [smem:$0x3FFB];
	_ =	sdelay $0x3  }
0x98: {  	_ =	strace s6  }
0x99: {  	s6 =	sld [smem:$0x3FFC];
	_ =	sdelay $0x3  }
0x9a: {  	_ =	strace s6  }
0x9b: {  	s6 =	sld [smem:$0x3FFD];
	_ =	sdelay $0x3  }
0x9c: {  	_ =	strace s6  }
0x9d: {  	_ =	strace $0x8FFFFFFF  }
0x9e: {  	s19 =	sld [smem:$0x3FDB];
	_ =	sdelay $0x1  }
0x9f: {  	s7 =	simm.s32 $_scs_section_size  }
0xa0: {  	s8 =	simm.s32 $_size__tile_overlayer_lowered;
	s9 =	simm.s32 $_tile_overlayer_lowered  }
0xa1: {  	s22 =	simm.s32 $0x1BFF;
	s21 =	sshll.u32 s9, $0x1;
	s6 =	sadd.s32 s7, s19  }
0xa2: {  	s10 =	simm.s32 $0x0;
	s20 =	sshll.u32 s8, $0x1;
	s8 =	sadd.s32 s21, s6  }
0xa3: {  	[timem:s10], [sflag:s22] =	dma.local [hbm:s8], s20  }
0xa4: {  	_ =	swait.ge [sflag:s22], s20  }
0xa5: {  	s7 =	ssub.s32 $0x0, s20;
	[sflag:s22] =	ssyncset.done $0x0  }
0xa6: {  	[sflag:s22] =	ssyncadd.s32 s7;
	_ =	sdelay $0x1  }
0xa7: {  	s23 =	simm.s32 $0x1B8B  }
0xa8: {  	_ =	swait.ge [sflag:s23], $0x1  }
0xa9: {  	[sflag:s23] =	ssyncset.done $0x0  }
0xaa: {  	s25 =	simm.s32 $0x1B8E;
	s24 =	sld [smem:$0x3FFE];
	[sflag:s23] =	ssyncadd.s32 $0xFFFFFFFF  }
0xab: {  	s26 =	simm.s32 $execute0_lowered;
	[smem:$0x3FD2] =	sst s25  }
0xac: {  	s8 =	sshll.u32 s26, $0x1;
	_ =	strace $0x80000046;
	[dreg:$0x1] =	wrdreg $0xFFFFFFFF  }
0xad: {  	s28 =	simm.s32 $_size_execute0_lowered;
	s6 =	sadd.s32 s6, s8;
	[dreg:$0x0] =	wrdreg $0x0  }
0xae: {  	s8 =	sshll.u32 s28, $0x1;
	[dreg:$0x2] =	wrdreg s6  }
0xaf: {  	[dreg:$0x3] =	wrdreg s8  }
0xb0: {  	[dreg:$0x4] =	wrdreg $0xC0  }
0xb1: {  	_ =	task [dreg:s10], $0x5FFFF  }
0xb2: {  	[dreg:$0x1] =	wrdreg $0xFFFFFFFF  }
0xb3: {  	[dreg:$0x0] =	wrdreg $0x60  }
0xb4: {  	[dreg:$0x2] =	wrdreg s15  }
0xb5: {  	[dreg:$0x3] =	wrdreg s24  }
0xb6: {  	[dreg:$0x4] =	wrdreg s16  }
0xb7: {  	[dreg:$0x5] =	wrdreg s17  }
0xb8: {  	[dreg:$0x6] =	wrdreg s18  }
0xb9: {  	[dreg:$0x7] =	wrdreg $0x142000  }
0xba: {  	[dreg:$0x8] =	wrdreg $0x9  }
0xbb: {  	_ =	task.clear_ibuf [dreg:s10], $0x9FFFF;
	_ =	strace $0x90000046  }
0xbc: {  	s29 =	simm.s32 $0x9;
	_ =	strace $0x80000048  }
0xbd: {  	_ =	swait.ge [sflag:s29], $0x1  }
0xbe: {  	[sflag:s29] =	ssyncadd.s32 $0xFFFFFFFF  }
0xbf: {  	_ =	strace $0x90000048  }
0xc0: {  	_ =	sfence  }
0xc1: {  	s30 =	sld [smem:$0x0];
	_ =	sdelay $0x2  }
0xc2: {  	s31 =	sshll.u32 s1, $0xD;
	s1 =	sshrl.u32 s1, $0x2  }
0xc3: {  	s3 =	sand.u32 $0x4000, s31;
	s1 =	sadd.s32 s1, s30  }
0xc4: {  	s0 =	sor.u32 s3, s0;
	s1 =	sshll.u32 s1, $0x11  }
0xc5: {  	s0 =	sor.u32 s1, s0  }
0xc6: {  	s0 =	sadd.s32 $0x8F2B, s0  }
0xc7: {  	[sflag:s0] =	ssyncadd.remote.s32 $0x1  }
0xc8: {  	_ =	sfence.sel $0xFFFF  }
0xc9: {  	[dreg:$0x0] =	wrdreg $0xFFFFFFFF;
	(pc) =	sbr.abs _section_cstart, $3  }
0xca: {  	[dreg:$0x1] =	wrdreg $0xFFFFFFFF  }
0xcb: {  	_ =	task.clear_ibuf [dreg:s10], $0x2FFFF;
	_ =	strace $0x9FFFFFFF  }
0xcc: {  	(tm) =	ssettm $0x7FFFFFFF  }
0xcd: {  	_ =	shalt  }
tec
execute0_lowered:
.L_overlay_start_1:
0x0: {  	(tag) =	ssettag $0x1  }
0x1: {  	s8 =	rddreg [dreg:$0x0]  }
0x2: {  	s6 =	rddreg [dreg:$0x1]  }
0x3: {  	s1 =	rddreg [dreg:$0x2]  }
0x4: {  	s15 =	rddreg [dreg:$0x3]  }
0x5: {  	s13 =	rddreg [dreg:$0x4]  }
0x6: {  	s2 =	rddreg [dreg:$0x5]  }
0x7: {  	s0 =	rddreg [dreg:$0x6]  }
0x8: {  	s3 =	simm.s32 $0x0;
	s7 =	srdreg.scid;
	s4 =	stileid.u32  }
0x9: {  	s20 =	simm.s32 $0x8200;
	s21 =	simm.s32 $0x4200;
	s22 =	simm.s32 $0x1  }
0xa: {  	s23 =	simm.s32 $0x2;
	s24 =	simm.s32 $0x200;
	s25 =	simm.s32 $0xC200  }
0xb: {  	s26 =	simm.s32 $0x0;
	[smem:$0x7FF] =	sst s3;
	s10 =	sadd.s32 $0x3200, s6  }
0xc: {  	s5 =	sadd.s32 $0x3C00, s6;
	s17 =	sand.u32 $0x1, s7;
	s6 =	sadd.s32 $0x3400, s6  }
0xd: {  	s9 =	sshll.u32 s4, $0x8;
	s12 =	sshll.u32 s4, $0x5;
	s30 =	sshll.u32 s4, $0xF  }
0xe: {  	s18 =	sshll.u32 s4, $0xC;
	_ =	strace $0x80000047;
	s7 =	ssub.s32 $0x2, s17  }
0xf: {  	s14 =	sor.u32 $0x80, s9;
	s9 =	sadd.s32 s10, s12;
	s13 =	sadd.s32 s13, s18  }
0x10: {  	p0 =	sne.s32 s17, $0x0;
	s17 =	simm.s32 $0x80;
	s11 =	sshrl.u32 s7, $0x1  }
.Ltmp0:
0x11: {  	s29 =	sshrl.u32 s14, $0x3;
	s31 =	sshll.u32 s14, $0x7;
	(pc) =	sbr.rel .LBB2_1-.Ltmp0, $4  }
0x12: {  	s19 =	sshll.u32 s14, $0x4;
	s14 =	sadd.s32 s15, s18;
	s18 =	simm.s32 $0x100  }
0x13: {  	s16 =	ssub.s32 s7, s11;
	s7 =	sadd.s32 s8, s12;
	s8 =	sadd.s32 s8, s29  }
0x14: {  	s10 =	sadd.s32 s10, s29;
	s11 =	sadd.s32 s30, s2;
	s12 =	sadd.s32 s31, s2  }
0x15: {  	s15 =	sadd.s32 s15, s19;
	s19 =	simm.s32 $0x180;
	s16 =	smax.u32 s16, $0x1  }
.LBB2_2:
0x16: {  	[tilespmem:s24], [sflag:$0x1] =	stream.indirect.gather [hbm4b:s1+s17], $0x80, s3, s17, $0xb8;
	[tilespmem:$0x1C200] =	vst v63  }
0x17: {  	_ =	swait.ge [sflag:s22], $0x4000  }
0x18: {  	[sflag:s22] =	ssyncset.done $0x0  }
0x19: {  	[sflag:s22] =	ssyncadd.s32 $0xFFFFC000  }
0x1a: {  	[bflag:$0x0] =	sbarrier.arrive $0xFFFF  }
0x1b: {  	[spmem:s2] =	stream.indirect.scatter.add.f32 [tilespmem:s24], [sflag:$0x2], $0x80, s18, s17, $0xb8;
	[tilespmem:$0x1C200] =	vst v63  }
0x1c: {  	_ =	swait.ge [sflag:s23], $0x4000  }
0x1d: {  	[sflag:s23] =	ssyncset.done $0x0  }
0x1e: {  	[sflag:s23] =	ssyncadd.s32 $0xFFFFC000  }
0x1f: {  	[tilespmem:s24], [sflag:$0x1] =	stream.indirect.gather [hbm4b:s1+s17], $0x80, s17, s17, $0xb8;
	[tilespmem:$0x1C200] =	vst v63  }
0x20: {  	_ =	swait.ge [sflag:s22], $0x4000  }
0x21: {  	[sflag:s22] =	ssyncset.done $0x0  }
0x22: {  	[sflag:s22] =	ssyncadd.s32 $0xFFFFC000  }
0x23: {  	[spmem:s2] =	stream.indirect.scatter.add.f32 [tilespmem:s24], [sflag:$0x2], $0x80, s19, s17, $0xb8;
	[tilespmem:$0x1C200] =	vst v63  }
0x24: {  	_ =	swait.ge [sflag:s23], $0x4000  }
0x25: {  	[sflag:s23] =	ssyncset.done $0x0  }
0x26: {  	[sflag:s23] =	ssyncadd.s32 $0xFFFFC000  }
0x27: {  	[bflag:$0x0] =	sbarrier.arrive $0xFFFF  }
0x28: {  	[tilespmem:s24], [sflag:$0x2] =	stream.linear.gather [spmem:s11], $0x4000, $0x38;
	[tilespmem:$0x1C200] =	vst v63  }
0x29: {  	_ =	swait.ge [sflag:s23], $0x4000  }
0x2a: {  	[sflag:s23] =	ssyncset.done $0x0  }
0x2b: {  	[sflag:s23] =	ssyncadd.s32 $0xFFFFC000  }
0x2c: {  	[hbm4b:s14+s3] =	stream.linear.scatter [tilespmem:s24], [sflag:$0x2], $0x4000, $0x38;
	[tilespmem:$0x1C200] =	vst v63  }
0x2d: {  	_ =	swait.ge [sflag:s23], $0x4000  }
0x2e: {  	[sflag:s23] =	ssyncset.done $0x0  }
0x2f: {  	[sflag:s23] =	ssyncadd.s32 $0xFFFFC000  }
0x30: {  	[tilespmem:s24], [sflag:$0x2] =	stream.linear.gather [spmem:s12], $0x4000, $0x38;
	[tilespmem:$0x1C200] =	vst v63  }
0x31: {  	_ =	swait.ge [sflag:s23], $0x4000  }
0x32: {  	[sflag:s23] =	ssyncset.done $0x0  }
0x33: {  	[sflag:s23] =	ssyncadd.s32 $0xFFFFC000  }
0x34: {  	[hbm4b:s15+s3] =	stream.linear.scatter [tilespmem:s24], [sflag:$0x2], $0x4000, $0x38;
	[tilespmem:$0x1C200] =	vst v63  }
0x35: {  	_ =	swait.ge [sflag:s23], $0x4000  }
0x36: {  	[sflag:s23] =	ssyncset.done $0x0  }
0x37: {  	[sflag:s23] =	ssyncadd.s32 $0xFFFFC000  }
.LBB2_8:
0x38: {  	s26 =	sadd.s32 $0x1, s26  }
0x39: {  	p1 =	sne.s32 s26, s16  }
.Ltmp1:
0x3a: {  	_ = 	snop;
	(pc) =	sbr.rel @!p1 .LBB2_9-.Ltmp1, $1  }
0x3b: {  	_ =	sdelay $0x3  }
.LBB2_1:
0x3c: {  	[tilespmem:s3], [sflag:$0x1] =	stream.linear.gather [hbm4b:s7+s3], $0x80, $0x38;
	[tilespmem:$0x1C200] =	vst v63  }
0x3d: {  	_ = 	snop  }
0x3e: {  	[tilespmem:s17], [sflag:$0x1] =	stream.linear.gather [hbm4b:s8+s3], $0x80, $0x38;
	[tilespmem:$0x1C200] =	vst v63  }
0x3f: {  	_ = 	snop  }
0x40: {  	[tilespmem:s18], [sflag:$0x1] =	stream.linear.gather [hbm4b:s9+s3], $0x80, $0x38;
	[tilespmem:$0x1C200] =	vst v63  }
0x41: {  	_ = 	snop  }
0x42: {  	[tilespmem:s19], [sflag:$0x1] =	stream.linear.gather [hbm4b:s10+s3], $0x80, $0x38;
	[tilespmem:$0x1C200] =	vst v63  }
0x43: {  	_ = 	snop  }
0x44: {  	[tilespmem:s20], [sflag:$0x1] =	stream.linear.gather [hbm4b:s5+s3], $0x4000, $0x38;
	[tilespmem:$0x1C200] =	vst v63  }
0x45: {  	_ = 	snop  }
0x46: {  	[tilespmem:s21], [sflag:$0x1] =	stream.linear.gather [hbm4b:s6+s3], $0x4000, $0x38;
	[tilespmem:$0x1C200] =	vst v63  }
0x47: {  	_ =	swait.ge [sflag:s22], $0x80  }
0x48: {  	[sflag:s22] =	ssyncset.done $0x0  }
0x49: {  	[sflag:s22] =	ssyncadd.s32 $0xFFFFFF80  }
0x4a: {  	_ =	swait.ge [sflag:s22], $0x80  }
0x4b: {  	[sflag:s22] =	ssyncset.done $0x0  }
0x4c: {  	[sflag:s22] =	ssyncadd.s32 $0xFFFFFF80  }
0x4d: {  	_ =	swait.ge [sflag:s22], $0x80  }
0x4e: {  	[sflag:s22] =	ssyncset.done $0x0  }
0x4f: {  	[sflag:s22] =	ssyncadd.s32 $0xFFFFFF80  }
0x50: {  	_ =	swait.ge [sflag:s22], $0x80  }
0x51: {  	[sflag:s22] =	ssyncset.done $0x0  }
0x52: {  	[sflag:s22] =	ssyncadd.s32 $0xFFFFFF80  }
0x53: {  	_ =	swait.ge [sflag:s22], $0x4000  }
0x54: {  	[sflag:s22] =	ssyncset.done $0x0  }
0x55: {  	[sflag:s22] =	ssyncadd.s32 $0xFFFFC000  }
0x56: {  	_ =	swait.ge [sflag:s22], $0x4000  }
0x57: {  	[sflag:s22] =	ssyncset.done $0x0  }
0x58: {  	[sflag:s22] =	ssyncadd.s32 $0xFFFFC000  }
0x59: {  	[spmem:s11] =	stream.linear.scatter [tilespmem:s20], [sflag:$0x2], $0x4000, $0x38;
	[tilespmem:$0x1C200] =	vst v63  }
0x5a: {  	_ =	swait.ge [sflag:s23], $0x4000  }
0x5b: {  	[sflag:s23] =	ssyncset.done $0x0  }
.Ltmp2:
0x5c: {  	[sflag:s23] =	ssyncadd.s32 $0xFFFFC000;
	(pc) =	sbr.rel @!p0 .LBB2_2-.Ltmp2, $4  }
0x5d: {  	[spmem:s12] =	stream.linear.scatter [tilespmem:s20], [sflag:$0x2], $0x4000, $0x38;
	[tilespmem:$0x1C200] =	vst v63  }
0x5e: {  	_ =	swait.ge [sflag:s23], $0x4000  }
0x5f: {  	[sflag:s23] =	ssyncset.done $0x0  }
0x60: {  	[sflag:s23] =	ssyncadd.s32 $0xFFFFC000  }
0x61: {  	[bflag:$0x0] =	sbarrier.arrive $0xFFFF  }
0x62: {  	[spmem:s2] =	stream.indirect.scatter.add.f32 [tilespmem:s21], [sflag:$0x2], $0x80, s18, s17, $0xb8;
	[tilespmem:$0x1C200] =	vst v63  }
0x63: {  	_ =	swait.ge [sflag:s23], $0x4000  }
0x64: {  	[sflag:s23] =	ssyncset.done $0x0  }
0x65: {  	[sflag:s23] =	ssyncadd.s32 $0xFFFFC000  }
0x66: {  	[spmem:s2] =	stream.indirect.scatter.add.f32 [tilespmem:s21], [sflag:$0x2], $0x80, s19, s17, $0xb8;
	[tilespmem:$0x1C200] =	vst v63  }
0x67: {  	_ =	swait.ge [sflag:s23], $0x4000  }
0x68: {  	[sflag:s23] =	ssyncset.done $0x0  }
0x69: {  	[sflag:s23] =	ssyncadd.s32 $0xFFFFC000  }
0x6a: {  	[bflag:$0x0] =	sbarrier.arrive $0xFFFF  }
0x6b: {  	[tilespmem:s20], [sflag:$0x2] =	stream.linear.gather [spmem:s11], $0x4000, $0x38;
	[tilespmem:$0x1C200] =	vst v63  }
0x6c: {  	_ =	swait.ge [sflag:s23], $0x4000  }
0x6d: {  	[sflag:s23] =	ssyncset.done $0x0  }
0x6e: {  	s28 =	simm.s32 $0x0;
	[sflag:s23] =	ssyncadd.s32 $0xFFFFC000  }
0x6f: {  	s29 =	simm.s32 $0x200;
	v0 =	vld [tilespmem:s28+$0x8200]  }
.LBB2_4:
0x70: {  	p1 =	sne.s32 s29, $0xFE00  }
.Ltmp3:
0x71: {  	_ = 	snop;
	(pc) =	sbr.rel @p1 .LBB2_4-.Ltmp3, $3  }
0x72: {  	_ =	sdelay $0x1  }
0x73: {  	[tilespmem:s28+$0xC200] =	vst v0;
	s28 =	sshra.s32 s29, $0x2;
	s29 =	sadd.s32 $0x200, s29  }
0x74: {  	v0 =	vld [tilespmem:s28+$0x8200]  }
0x75: {  	_ =	sdelay $0x3  }
0x76: {  	[tilespmem:s28+$0xC200] =	vst v0  }
0x77: {  	[tilespmem:s20], [sflag:$0x2] =	stream.linear.gather [spmem:s12], $0x4000, $0x38;
	[tilespmem:$0x1C200] =	vst v63  }
0x78: {  	_ =	swait.ge [sflag:s23], $0x4000  }
0x79: {  	[sflag:s23] =	ssyncset.done $0x0  }
0x7a: {  	s28 =	simm.s32 $0x0;
	[sflag:s23] =	ssyncadd.s32 $0xFFFFC000  }
0x7b: {  	s29 =	simm.s32 $0x200;
	v0 =	vld [tilespmem:s28+$0x8200]  }
.LBB2_6:
0x7c: {  	p1 =	sne.s32 s29, $0xFE00  }
.Ltmp4:
0x7d: {  	_ = 	snop;
	(pc) =	sbr.rel @p1 .LBB2_6-.Ltmp4, $3  }
0x7e: {  	_ =	sdelay $0x1  }
0x7f: {  	[tilespmem:s28+$0x10200] =	vst v0;
	s28 =	sshra.s32 s29, $0x2;
	s29 =	sadd.s32 $0x200, s29  }
0x80: {  	v0 =	vld [tilespmem:s28+$0x8200]  }
0x81: {  	_ =	sdelay $0x3  }
.Ltmp5:
0x82: {  	[tilespmem:s28+$0x10200] =	vst v0;
	(pc) =	sbr.rel .LBB2_8-.Ltmp5, $4  }
0x83: {  	[hbm4b:s13+s3] =	stream.linear.scatter [tilespmem:s25], [sflag:$0x2], $0x8000, $0x38;
	[tilespmem:$0x1C200] =	vst v63  }
0x84: {  	_ =	swait.ge [sflag:s23], $0x8000  }
0x85: {  	[sflag:s23] =	ssyncset.done $0x0  }
0x86: {  	[sflag:s23] =	ssyncadd.s32 $0xFFFF8000  }
.LBB2_9:
0x87: {  	_ =	sfence.sel $0x180000  }
0x88: {  	[bflag:$0x0] =	sbarrier.arrive $0xFFFF  }
0x89: {  	p0 =	sne.s32 s4, $0x0;
	_ =	strace $0x90000047  }
0x8a: {  	s0 =	sadd.s32 @!p0 $0x100000, s0;
	[bflag:$0x2] =	sbarrier.arrive $0xFFFF  }
0x8b: {  	[sflag:s0] =	ssyncadd.tile.s32 @!p0 $0x1;
	_ =	shalt  }
.Lfunc_end2:
_tile_overlayer_lowered:
.L_overlay_start_2:
0x8c: {  	(tag) =	ssettag $0x2  }
0x8d: {  	s0 =	rddreg [dreg:$0x0];
	s2 =	stileid.u32  }
0x8e: {  	s1 =	rddreg [dreg:$0x1];
	p0 =	sne.s32 s2, $0x0  }
0x8f: {  	s3 =	rddreg [dreg:$0x2];
	[bflag:$0x3] =	sbarrier.arrive $0xFFFF;
	s2 =	simm.s32 @!p0 $0x1C02  }
0x90: {  	[timem:s3], [sflag:s2] =	dma.local @!p0 [hbm:s0], s1  }
0x91: {  	s0 =	simm.s32 @!p0 $0x2  }
0x92: {  	_ =	swait.ge @!p0 [sflag:s0], s1  }
0x93: {  	s1 =	ssub.s32 @!p0 $0x0, s1;
	[sflag:s0] =	ssyncset.done @!p0 $0x0  }
0x94: {  	[sflag:s0] =	ssyncadd.s32 @!p0 s1  }
0x95: {  	[bflag:$0x3] =	sbarrier.arrive $0xFFFF  }
0x96: {  	_ =	shalt  }

</sc_bundles>
